<compile_context>
chip_gen: v7x
topology: tpu7x:2x2x1
jax: 0.10.2.dev20260603
libtpu: 0.0.44.dev20260713+nightly
codegen_flags: <defaults>
</compile_context>

<pallas_src>
import functools

import jax
import jax.numpy as jnp
from jax import lax
from jax.experimental import pallas as pl
from jax.experimental.pallas import tpu as pltpu
from jax.experimental.pallas import tpu_sc as plsc

NC = 2
NS = 16
CH = 128


def _sc_mesh():
    return plsc.VectorSubcoreMesh(core_axis_name="c", subcore_axis_name="s")


def _make_deg_kernel(n_pad, e_pad):
    chunks_per_tile = e_pad // (NC * NS * CH)
    rows_per_tile = n_pad // NS

    @functools.partial(
        pl.kernel,
        mesh=_sc_mesh(),
        out_type=jax.ShapeDtypeStruct((NC * n_pad,), jnp.float32),
        scratch_types=[
            pltpu.VMEM((CH,), jnp.int32),
            pltpu.VMEM((CH,), jnp.float32),
            pltpu.VMEM((rows_per_tile,), jnp.float32),
            pltpu.VMEM_SHARED((n_pad,), jnp.float32),
            pltpu.SemaphoreType.DMA,
        ],
    )
    def deg_kernel(dst_hbm, ones_hbm, zeros_hbm, out_hbm,
                   dst_v, ones_v, row_v, deg_sh, sem):
        c = lax.axis_index("c")
        s = lax.axis_index("s")
        row0 = s * rows_per_tile

        @pl.when(c == 0)
        def _():
            pltpu.sync_copy(ones_hbm.at[pl.ds(row0, rows_per_tile)], row_v)

        @pl.when(c != 0)
        def _():
            pltpu.sync_copy(zeros_hbm.at[pl.ds(row0, rows_per_tile)], row_v)

        pltpu.sync_copy(row_v, deg_sh.at[pl.ds(row0, rows_per_tile)])
        pltpu.sync_copy(ones_hbm.at[pl.ds(0, CH)], ones_v)
        plsc.subcore_barrier()

        base_chunk = (c * NS + s) * chunks_per_tile

        @pl.loop(0, chunks_per_tile)
        def _(j):
            off = (base_chunk + j) * CH
            pltpu.sync_copy(dst_hbm.at[pl.ds(off, CH)], dst_v)
            pltpu.sync_copy(ones_v, deg_sh.at[dst_v], add=True)

        plsc.subcore_barrier()

        pltpu.sync_copy(deg_sh.at[pl.ds(row0, rows_per_tile)], row_v)
        pltpu.sync_copy(row_v, out_hbm.at[pl.ds(c * n_pad + row0, rows_per_tile)])

    return deg_kernel


IDX_Q = 8


CPT_FRAC0 = 104 / 158


def _make_agg_kernel(n_pad, e_pad, dim):
    chunks_total = e_pad // (NS * CH)
    cpt0 = 2 * int(round(chunks_total * CPT_FRAC0 / 2))
    cpt1 = chunks_total - cpt0
    assert cpt1 % 2 == 0 and cpt0 >= 2 and cpt1 >= 2
    rows_per_tile = n_pad // NS
    n_init_chunks = (rows_per_tile + CH - 1) // CH

    @functools.partial(
        pl.kernel,
        mesh=_sc_mesh(),
        out_type=jax.ShapeDtypeStruct((NC, n_pad, dim), jnp.float32),
        scratch_types=[
            pltpu.VMEM((CH,), jnp.int32),
            pltpu.VMEM((CH,), jnp.int32),
            pltpu.VMEM((CH,), jnp.int32),
            pltpu.VMEM((CH,), jnp.int32),
            pltpu.VMEM((CH, dim), jnp.float32),
            pltpu.VMEM((CH, dim), jnp.float32),
            pltpu.VMEM_SHARED((n_pad, dim), jnp.float32),
            pltpu.SemaphoreType.DMA,
            pltpu.SemaphoreType.DMA,
            pltpu.SemaphoreType.DMA,
        ],
    )
    def agg_kernel(h_hbm, zeros_hbm, src_hbm, dst_hbm, out_hbm,
                   src_a, dst_a, src_b, dst_b, rows_a, rows_b, y_sh,
                   sem_a, sem_b, sem2):
        c = lax.axis_index("c")
        s = lax.axis_index("s")
        row0 = s * rows_per_tile

        @pl.when(c == 0)
        def _():
            pltpu.sync_copy(h_hbm.at[pl.ds(row0, rows_per_tile)],
                            y_sh.at[pl.ds(row0, rows_per_tile)])

        @pl.when(c != 0)
        def _():
            pltpu.sync_copy(zeros_hbm.at[pl.ds(row0, rows_per_tile)],
                            y_sh.at[pl.ds(row0, rows_per_tile)])

        plsc.subcore_barrier()

        def fetch_idx(off, sv, dv):
            pltpu.async_copy(src_hbm.at[pl.ds(off, CH)], sv, sem2)
            pltpu.async_copy(dst_hbm.at[pl.ds(off, CH)], dv, sem2)

        def wait_idx(off, sv, dv):
            pltpu.make_async_copy(src_hbm.at[pl.ds(off, CH)], sv, sem2).wait()
            pltpu.make_async_copy(dst_hbm.at[pl.ds(off, CH)], dv, sem2).wait()

        def edge_loop(base_chunk, cpt):
            base = base_chunk * CH
            fetch_idx(base, src_a, dst_a)
            fetch_idx(base + CH, src_b, dst_b)
            wait_idx(base, src_a, dst_a)
            pltpu.async_copy(h_hbm.at[src_a], rows_a, sem_a)

            @pl.loop(0, cpt // 2)
            def _(jj):
                off0 = base + jj * (2 * CH)
                wait_idx(off0 + CH, src_b, dst_b)
                pltpu.async_copy(h_hbm.at[src_b], rows_b, sem_b)
                pltpu.make_async_copy(h_hbm.at[src_a], rows_a, sem_a).wait()
                pltpu.sync_copy(rows_a, y_sh.at[dst_a], add=True)
                fetch_idx(off0 + 2 * CH, src_a, dst_a)
                wait_idx(off0 + 2 * CH, src_a, dst_a)
                pltpu.async_copy(h_hbm.at[src_a], rows_a, sem_a)
                pltpu.make_async_copy(h_hbm.at[src_b], rows_b, sem_b).wait()
                pltpu.sync_copy(rows_b, y_sh.at[dst_b], add=True)
                fetch_idx(off0 + 3 * CH, src_b, dst_b)

            end = base + cpt * CH
            pltpu.make_async_copy(h_hbm.at[src_a], rows_a, sem_a).wait()
            wait_idx(end + CH, src_b, dst_b)

        @pl.when(c == 0)
        def _():
            edge_loop(s * cpt0, cpt0)

        @pl.when(c != 0)
        def _():
            edge_loop(NS * cpt0 + s * cpt1, cpt1)

        plsc.subcore_barrier()

        pltpu.sync_copy(y_sh.at[pl.ds(row0, rows_per_tile)],
                        out_hbm.at[c, pl.ds(row0, rows_per_tile), :])

    return agg_kernel


def _mm_scale_body(n, fts_ref, w_ref, deg_ref, out_ref):
    dinv = lax.rsqrt(deg_ref[...])
    h = jnp.dot(fts_ref[...], w_ref[...],
                preferred_element_type=jnp.float32) * dinv
    out_ref[:n] = h


def _mid_body(n, y_ref, deg_ref, b_ref, w_ref, out_ref):
    dinv = lax.rsqrt(deg_ref[...])
    ysum = (y_ref[0, :n] + y_ref[1, :n]) * dinv
    x = jnp.maximum(ysum + b_ref[...], 0.0)
    out_ref[:n] = jnp.dot(x, w_ref[...],
                          preferred_element_type=jnp.float32) * dinv


def _final_body(n, y_ref, deg_ref, b_ref, wc_ref, bc_ref, out_ref, hid_ref):
    dinv = lax.rsqrt(deg_ref[...])
    ysum = (y_ref[0, :n] + y_ref[1, :n]) * dinv
    x = jnp.maximum(ysum + b_ref[...], 0.0)
    hid_ref[...] = x
    out_ref[...] = jnp.dot(x, wc_ref[...],
                           preferred_element_type=jnp.float32) + bc_ref[...]


def kernel(fts, edge_index, W1, b1, W2, b2, Wc, bc):
    n, in_dim = fts.shape
    hid_dim = W1.shape[1]
    out_dim = Wc.shape[1]
    e = edge_index.shape[1]

    n_pad = ((n + 1 + NS * 8 - 1) // (NS * 8)) * (NS * 8)
    e_quant = NC * NS * CH
    e_pad = ((e + e_quant - 1) // e_quant) * e_quant

    src = edge_index[0]
    dst = edge_index[1]
    pad = e_pad + 2 * CH - e
    src_p = jnp.concatenate([src, jnp.zeros((pad,), jnp.int32)])
    pad_dst = n + jnp.arange(pad, dtype=jnp.int32) % (n_pad - n)
    dst_p = jnp.concatenate([dst, pad_dst])
    ones_pad = jnp.ones((n_pad,), jnp.float32)
    zeros_rows = jnp.zeros((n_pad, hid_dim), jnp.float32)

    deg_kernel = _make_deg_kernel(n_pad, e_pad)
    agg_kernel = _make_agg_kernel(n_pad, e_pad, hid_dim)

    zeros_1d = jnp.zeros((n_pad,), jnp.float32)
    deg_full = deg_kernel(dst_p, ones_pad, zeros_1d)
    deg = (deg_full[:n] + deg_full[n_pad:n_pad + n]).reshape(n, 1)

    b1r = b1.reshape(1, hid_dim)
    b2r = b2.reshape(1, hid_dim)
    bcr = bc.reshape(1, out_dim)

    h1 = pl.pallas_call(
        functools.partial(_mm_scale_body, n),
        out_shape=jax.ShapeDtypeStruct((n_pad, hid_dim), jnp.float32),
    )(fts, W1, deg)

    y1 = agg_kernel(h1, zeros_rows, src_p, dst_p)

    h2 = pl.pallas_call(
        functools.partial(_mid_body, n),
        out_shape=jax.ShapeDtypeStruct((n_pad, hid_dim), jnp.float32),
    )(y1, deg, b1r, W2)

    y2 = agg_kernel(h2, zeros_rows, src_p, dst_p)

    out, hid = pl.pallas_call(
        functools.partial(_final_body, n),
        out_shape=(
            jax.ShapeDtypeStruct((n, out_dim), jnp.float32),
            jax.ShapeDtypeStruct((n, hid_dim), jnp.float32),
        ),
    )(y2, deg, b2r, Wc, bcr)

    return (out, hid)

# --- scband reference (transcript-rebuilt; emitter-appended) ---
"""Pipeline reference for scband-gcn-37546604102454 (READ-ONLY COPY).

The authoritative reference and input builder live on the scoring server;
editing this copy changes nothing except your own understanding.
"""

import jax, jax.numpy as jnp
import numpy as np

N = 10000
E = 320000
IN_DIM = 128
HID_DIM = 128
OUT_DIM = 64


def _glorot(key, shape):
    fan_in, fan_out = shape[0], shape[1]
    limit = jnp.sqrt(6.0 / (fan_in + fan_out))
    return jax.random.uniform(key, shape, dtype=jnp.float32, minval=-limit, maxval=limit)


def setup_inputs(seed: int = 0) -> dict:
    key = jax.random.key(seed)
    ks = jax.random.split(key, 8)
    fts = jax.random.normal(ks[0], (N, IN_DIM), dtype=jnp.float32)
    edge_index = jax.random.randint(ks[1], (2, E), 0, N, dtype=jnp.int32)
    W1 = _glorot(ks[2], (IN_DIM, HID_DIM))
    b1 = jnp.zeros((HID_DIM,), dtype=jnp.float32)
    W2 = _glorot(ks[3], (HID_DIM, HID_DIM))
    b2 = jnp.zeros((HID_DIM,), dtype=jnp.float32)
    Wc = _glorot(ks[4], (HID_DIM, OUT_DIM))
    bc = jnp.zeros((OUT_DIM,), dtype=jnp.float32)
    return {"fts": fts, "edge_index": edge_index, "W1": W1, "b1": b1, "W2": W2, "b2": b2, "Wc": Wc, "bc": bc}


def _gcn_conv(x, src, dst, W, b, n_nodes):
    # GCNConv with symmetric normalization and self-loops (PyG semantics)
    h = x @ W
    ones = jnp.ones(dst.shape[0], dtype=h.dtype)
    deg = jax.ops.segment_sum(ones, dst, num_segments=n_nodes)
    dinv = jnp.where(deg > 0, 1.0 / jnp.sqrt(deg), 0.0)
    norm = dinv[src] * dinv[dst]
    msg = h[src] * norm[:, None]
    out = jax.ops.segment_sum(msg, dst, num_segments=n_nodes)
    return out + b


def reference(fts, edge_index, W1, b1, W2, b2, Wc, bc):
    n_nodes = fts.shape[0]
    loops = jnp.arange(n_nodes, dtype=edge_index.dtype)
    src = jnp.concatenate([edge_index[0], loops])
    dst = jnp.concatenate([edge_index[1], loops])
    x = fts
    # layer 1
    x = _gcn_conv(x, src, dst, W1, b1, n_nodes)
    x = jax.nn.relu(x)
    # dropout is identity in eval mode
    # layer 2
    x = _gcn_conv(x, src, dst, W2, b2, n_nodes)
    x = jax.nn.relu(x)
    out = x @ Wc + bc
    return (out, x)

if __name__ == "__main__":
    import jax
    _d = setup_inputs()
    print(jax.jit(kernel)(*tuple(_d.values())))

</pallas_src>

<mosaic_0001>
#map = affine_map<(d0, d1) -> (0)>
module attributes {stable_mosaic.version = 14 : i64} {
  func.func @deg_kernel(%arg0: i32, %arg1: i32, %arg2: memref<323840xi32, #tpu.memory_space<hbm>>, %arg3: memref<10112xf32, #tpu.memory_space<hbm>>, %arg4: memref<10112xf32, #tpu.memory_space<hbm>>, %arg5: memref<20224xf32, #tpu.memory_space<hbm>>, %arg6: memref<128xi32, #tpu.memory_space<vmem>>, %arg7: memref<128xf32, #tpu.memory_space<vmem>>, %arg8: memref<632xf32, #tpu.memory_space<vmem>>, %arg9: memref<10112xf32, #tpu.memory_space<vmem_shared>>, %arg10: memref<!tpu.dma_semaphore, #tpu.memory_space<semaphore_mem>>) attributes {dimension_semantics = [#tpu.dimension_semantics<core_parallel>, #tpu.dimension_semantics<subcore_parallel>], iteration_bounds = array<i64: 2, 16>, scalar_prefetch = 0 : i64, scratch_operands = 5 : i64, tpu.core_type = #tpu.core_type<sc_vector_subcore>, window_params = [{transform_indices = #map}, {transform_indices = #map}, {transform_indices = #map}, {transform_indices = #map}]} {
    %mul3A = arith.constant 632 : i32
    %mul3A_0 = arith.muli %arg1, %mul3A : i32
    %eq3A = arith.constant 0 : i32
    %eq3A_1 = arith.cmpi eq, %arg0, %eq3A : i32
    %convert_element_type3A = arith.extui %eq3A_1 : i1 to i32
    %cond3A = arith.constant 0 : i32
    %cond3A_2 = arith.cmpi ne, %convert_element_type3A, %cond3A : i32
    scf.if %cond3A_2 {
      "tpu.region"() ({
        %run_scoped3A = tpu.sem_alloc : memref<!tpu.dma_semaphore, #tpu.memory_space<semaphore_mem>>
        %dma_start3A = tpu.memref_slice %arg3[%mul3A_0] : memref<10112xf32, #tpu.memory_space<hbm>> -> memref<632xf32, #tpu.memory_space<hbm>>
        %dma_start3A_19 = tpu.memref_slice %arg3[%mul3A_0] : memref<10112xf32, #tpu.memory_space<hbm>> -> memref<632xf32, #tpu.memory_space<hbm>>
        tpu.enqueue_dma source(%dma_start3A_19 : memref<632xf32, #tpu.memory_space<hbm>>) target(%arg8 : memref<632xf32, #tpu.memory_space<vmem>>) target_semaphore(%run_scoped3A : memref<!tpu.dma_semaphore, #tpu.memory_space<semaphore_mem>>)
        %dma_wait3A = tpu.memref_slice %arg3[%mul3A_0] : memref<10112xf32, #tpu.memory_space<hbm>> -> memref<632xf32, #tpu.memory_space<hbm>>
        %dma_wait3A_20 = tpu.memref_slice %arg3[%mul3A_0] : memref<10112xf32, #tpu.memory_space<hbm>> -> memref<632xf32, #tpu.memory_space<hbm>>
        tpu.wait_dma2 semaphore(%run_scoped3A : memref<!tpu.dma_semaphore, #tpu.memory_space<semaphore_mem>>) src(%dma_wait3A_20 : memref<632xf32, #tpu.memory_space<hbm>>) dst(%arg8 : memref<632xf32, #tpu.memory_space<vmem>>)
        tpu.yield
      }) : () -> ()
    } else {
    }
    %ne3A = arith.constant 0 : i32
    %ne3A_3 = arith.cmpi ne, %arg0, %ne3A : i32
    %convert_element_type3A_4 = arith.extui %ne3A_3 : i1 to i32
    %cond3A_5 = arith.constant 0 : i32
    %cond3A_6 = arith.cmpi ne, %convert_element_type3A_4, %cond3A_5 : i32
    scf.if %cond3A_6 {
      "tpu.region"() ({
        %run_scoped3A = tpu.sem_alloc : memref<!tpu.dma_semaphore, #tpu.memory_space<semaphore_mem>>
        %dma_start3A = tpu.memref_slice %arg4[%mul3A_0] : memref<10112xf32, #tpu.memory_space<hbm>> -> memref<632xf32, #tpu.memory_space<hbm>>
        %dma_start3A_19 = tpu.memref_slice %arg4[%mul3A_0] : memref<10112xf32, #tpu.memory_space<hbm>> -> memref<632xf32, #tpu.memory_space<hbm>>
        tpu.enqueue_dma source(%dma_start3A_19 : memref<632xf32, #tpu.memory_space<hbm>>) target(%arg8 : memref<632xf32, #tpu.memory_space<vmem>>) target_semaphore(%run_scoped3A : memref<!tpu.dma_semaphore, #tpu.memory_space<semaphore_mem>>)
        %dma_wait3A = tpu.memref_slice %arg4[%mul3A_0] : memref<10112xf32, #tpu.memory_space<hbm>> -> memref<632xf32, #tpu.memory_space<hbm>>
        %dma_wait3A_20 = tpu.memref_slice %arg4[%mul3A_0] : memref<10112xf32, #tpu.memory_space<hbm>> -> memref<632xf32, #tpu.memory_space<hbm>>
        tpu.wait_dma2 semaphore(%run_scoped3A : memref<!tpu.dma_semaphore, #tpu.memory_space<semaphore_mem>>) src(%dma_wait3A_20 : memref<632xf32, #tpu.memory_space<hbm>>) dst(%arg8 : memref<632xf32, #tpu.memory_space<vmem>>)
        tpu.yield
      }) : () -> ()
    } else {
    }
    "tpu.region"() ({
      %run_scoped3A = tpu.sem_alloc : memref<!tpu.dma_semaphore, #tpu.memory_space<semaphore_mem>>
      %dma_start3A = tpu.memref_slice %arg9[%mul3A_0] : memref<10112xf32, #tpu.memory_space<vmem_shared>> -> memref<632xf32, #tpu.memory_space<vmem_shared>>
      %dma_start3A_19 = tpu.memref_slice %arg9[%mul3A_0] : memref<10112xf32, #tpu.memory_space<vmem_shared>> -> memref<632xf32, #tpu.memory_space<vmem_shared>>
      tpu.enqueue_dma source(%arg8 : memref<632xf32, #tpu.memory_space<vmem>>) target(%dma_start3A_19 : memref<632xf32, #tpu.memory_space<vmem_shared>>) target_semaphore(%run_scoped3A : memref<!tpu.dma_semaphore, #tpu.memory_space<semaphore_mem>>)
      %dma_wait3A = tpu.memref_slice %arg9[%mul3A_0] : memref<10112xf32, #tpu.memory_space<vmem_shared>> -> memref<632xf32, #tpu.memory_space<vmem_shared>>
      %dma_wait3A_20 = tpu.memref_slice %arg9[%mul3A_0] : memref<10112xf32, #tpu.memory_space<vmem_shared>> -> memref<632xf32, #tpu.memory_space<vmem_shared>>
      tpu.wait_dma2 semaphore(%run_scoped3A : memref<!tpu.dma_semaphore, #tpu.memory_space<semaphore_mem>>) src(%arg8 : memref<632xf32, #tpu.memory_space<vmem>>) dst(%dma_wait3A_20 : memref<632xf32, #tpu.memory_space<vmem_shared>>)
      tpu.yield
    }) : () -> ()
    "tpu.region"() ({
      %run_scoped3A = tpu.sem_alloc : memref<!tpu.dma_semaphore, #tpu.memory_space<semaphore_mem>>
      %dma_start3A = arith.constant 0 : i32
      %dma_start3A_19 = tpu.memref_slice %arg3[%dma_start3A] : memref<10112xf32, #tpu.memory_space<hbm>> -> memref<128xf32, #tpu.memory_space<hbm>>
      %dma_start3A_20 = arith.constant 0 : i32
      %dma_start3A_21 = tpu.memref_slice %arg3[%dma_start3A_20] : memref<10112xf32, #tpu.memory_space<hbm>> -> memref<128xf32, #tpu.memory_space<hbm>>
      tpu.enqueue_dma source(%dma_start3A_21 : memref<128xf32, #tpu.memory_space<hbm>>) target(%arg7 : memref<128xf32, #tpu.memory_space<vmem>>) target_semaphore(%run_scoped3A : memref<!tpu.dma_semaphore, #tpu.memory_space<semaphore_mem>>)
      %dma_wait3A = arith.constant 0 : i32
      %dma_wait3A_22 = tpu.memref_slice %arg3[%dma_wait3A] : memref<10112xf32, #tpu.memory_space<hbm>> -> memref<128xf32, #tpu.memory_space<hbm>>
      %dma_wait3A_23 = arith.constant 0 : i32
      %dma_wait3A_24 = tpu.memref_slice %arg3[%dma_wait3A_23] : memref<10112xf32, #tpu.memory_space<hbm>> -> memref<128xf32, #tpu.memory_space<hbm>>
      tpu.wait_dma2 semaphore(%run_scoped3A : memref<!tpu.dma_semaphore, #tpu.memory_space<semaphore_mem>>) src(%dma_wait3A_24 : memref<128xf32, #tpu.memory_space<hbm>>) dst(%arg7 : memref<128xf32, #tpu.memory_space<vmem>>)
      tpu.yield
    }) : () -> ()
    %barrier3A = arith.constant 0 : index
    tpu.barrier barrier_id(%barrier3A)
    %mul3A_7 = arith.constant 16 : i32
    %mul3A_8 = arith.muli %arg0, %mul3A_7 : i32
    %add3A = arith.addi %mul3A_8, %arg1 : i32
    %mul3A_9 = arith.constant 79 : i32
    %mul3A_10 = arith.muli %add3A, %mul3A_9 : i32
    %scan3A = arith.constant 0 : i32
    %scan3A_11 = arith.constant 79 : i32
    %scan3A_12 = arith.addi %scan3A, %scan3A_11 : i32
    %scan3A_13 = arith.constant 1 : i32
    scf.for %scan3A_19 = %scan3A to %scan3A_12 step %scan3A_13  : i32 {
      %mul3A_20 = arith.constant 1 : i32
      %mul3A_21 = arith.muli %scan3A_19, %mul3A_20 : i32
      %add3A_22 = arith.constant 0 : i32
      %add3A_23 = arith.addi %add3A_22, %mul3A_21 : i32
      %add3A_24 = arith.addi %mul3A_10, %add3A_23 : i32
      %mul3A_25 = arith.constant 128 : i32
      %mul3A_26 = arith.muli %add3A_24, %mul3A_25 : i32
      "tpu.region"() ({
        %run_scoped3A = tpu.sem_alloc : memref<!tpu.dma_semaphore, #tpu.memory_space<semaphore_mem>>
        %dma_start3A = tpu.memref_slice %arg2[%mul3A_26] : memref<323840xi32, #tpu.memory_space<hbm>> -> memref<128xi32, #tpu.memory_space<hbm>>
        %dma_start3A_27 = tpu.memref_slice %arg2[%mul3A_26] : memref<323840xi32, #tpu.memory_space<hbm>> -> memref<128xi32, #tpu.memory_space<hbm>>
        tpu.enqueue_dma source(%dma_start3A_27 : memref<128xi32, #tpu.memory_space<hbm>>) target(%arg6 : memref<128xi32, #tpu.memory_space<vmem>>) target_semaphore(%run_scoped3A : memref<!tpu.dma_semaphore, #tpu.memory_space<semaphore_mem>>)
        %dma_wait3A = tpu.memref_slice %arg2[%mul3A_26] : memref<323840xi32, #tpu.memory_space<hbm>> -> memref<128xi32, #tpu.memory_space<hbm>>
        %dma_wait3A_28 = tpu.memref_slice %arg2[%mul3A_26] : memref<323840xi32, #tpu.memory_space<hbm>> -> memref<128xi32, #tpu.memory_space<hbm>>
        tpu.wait_dma2 semaphore(%run_scoped3A : memref<!tpu.dma_semaphore, #tpu.memory_space<semaphore_mem>>) src(%dma_wait3A_28 : memref<128xi32, #tpu.memory_space<hbm>>) dst(%arg6 : memref<128xi32, #tpu.memory_space<vmem>>)
        tpu.yield
      }) : () -> ()
      "tpu.region"() ({
        %run_scoped3A = tpu.sem_alloc : memref<!tpu.dma_semaphore, #tpu.memory_space<semaphore_mem>>
        %dma_start3A = arith.constant 0 : i32
        %dma_start3A_27 = tpu.memref_slice %arg9[%dma_start3A] : memref<10112xf32, #tpu.memory_space<vmem_shared>> -> memref<10112xf32, #tpu.memory_space<vmem_shared>>
        tpu.enqueue_indirect_dma source(%arg7 : memref<128xf32, #tpu.memory_space<vmem>>) target(%dma_start3A_27 : memref<10112xf32, #tpu.memory_space<vmem_shared>>) offsets(%arg6 : memref<128xi32, #tpu.memory_space<vmem>>) semaphore(%run_scoped3A : memref<!tpu.dma_semaphore, #tpu.memory_space<semaphore_mem>>) {add = true}
        %dma_wait3A = arith.constant 0 : i32
        %dma_wait3A_28 = tpu.memref_slice %arg9[%dma_wait3A] : memref<10112xf32, #tpu.memory_space<vmem_shared>> -> memref<10112xf32, #tpu.memory_space<vmem_shared>>
        tpu.wait_indirect_dma semaphore(%run_scoped3A : memref<!tpu.dma_semaphore, #tpu.memory_space<semaphore_mem>>) src(%arg7 : memref<128xf32, #tpu.memory_space<vmem>>) dst(%dma_wait3A_28 : memref<10112xf32, #tpu.memory_space<vmem_shared>>)
        tpu.yield
      }) : () -> ()
    }
    %scan3A_14 = arith.constant 79 : i32
    %barrier3A_15 = arith.constant 0 : index
    tpu.barrier barrier_id(%barrier3A_15)
    "tpu.region"() ({
      %run_scoped3A = tpu.sem_alloc : memref<!tpu.dma_semaphore, #tpu.memory_space<semaphore_mem>>
      %dma_start3A = tpu.memref_slice %arg9[%mul3A_0] : memref<10112xf32, #tpu.memory_space<vmem_shared>> -> memref<632xf32, #tpu.memory_space<vmem_shared>>
      %dma_start3A_19 = tpu.memref_slice %arg9[%mul3A_0] : memref<10112xf32, #tpu.memory_space<vmem_shared>> -> memref<632xf32, #tpu.memory_space<vmem_shared>>
      tpu.enqueue_dma source(%dma_start3A_19 : memref<632xf32, #tpu.memory_space<vmem_shared>>) target(%arg8 : memref<632xf32, #tpu.memory_space<vmem>>) target_semaphore(%run_scoped3A : memref<!tpu.dma_semaphore, #tpu.memory_space<semaphore_mem>>)
      %dma_wait3A = tpu.memref_slice %arg9[%mul3A_0] : memref<10112xf32, #tpu.memory_space<vmem_shared>> -> memref<632xf32, #tpu.memory_space<vmem_shared>>
      %dma_wait3A_20 = tpu.memref_slice %arg9[%mul3A_0] : memref<10112xf32, #tpu.memory_space<vmem_shared>> -> memref<632xf32, #tpu.memory_space<vmem_shared>>
      tpu.wait_dma2 semaphore(%run_scoped3A : memref<!tpu.dma_semaphore, #tpu.memory_space<semaphore_mem>>) src(%dma_wait3A_20 : memref<632xf32, #tpu.memory_space<vmem_shared>>) dst(%arg8 : memref<632xf32, #tpu.memory_space<vmem>>)
      tpu.yield
    }) : () -> ()
    %mul3A_16 = arith.constant 10112 : i32
    %mul3A_17 = arith.muli %arg0, %mul3A_16 : i32
    %add3A_18 = arith.addi %mul3A_17, %mul3A_0 : i32
    "tpu.region"() ({
      %run_scoped3A = tpu.sem_alloc : memref<!tpu.dma_semaphore, #tpu.memory_space<semaphore_mem>>
      %dma_start3A = tpu.memref_slice %arg5[%add3A_18] : memref<20224xf32, #tpu.memory_space<hbm>> -> memref<632xf32, #tpu.memory_space<hbm>>
      %dma_start3A_19 = tpu.memref_slice %arg5[%add3A_18] : memref<20224xf32, #tpu.memory_space<hbm>> -> memref<632xf32, #tpu.memory_space<hbm>>
      tpu.enqueue_dma source(%arg8 : memref<632xf32, #tpu.memory_space<vmem>>) target(%dma_start3A_19 : memref<632xf32, #tpu.memory_space<hbm>>) target_semaphore(%run_scoped3A : memref<!tpu.dma_semaphore, #tpu.memory_space<semaphore_mem>>)
      %dma_wait3A = tpu.memref_slice %arg5[%add3A_18] : memref<20224xf32, #tpu.memory_space<hbm>> -> memref<632xf32, #tpu.memory_space<hbm>>
      %dma_wait3A_20 = tpu.memref_slice %arg5[%add3A_18] : memref<20224xf32, #tpu.memory_space<hbm>> -> memref<632xf32, #tpu.memory_space<hbm>>
      tpu.wait_dma2 semaphore(%run_scoped3A : memref<!tpu.dma_semaphore, #tpu.memory_space<semaphore_mem>>) src(%arg8 : memref<632xf32, #tpu.memory_space<vmem>>) dst(%dma_wait3A_20 : memref<632xf32, #tpu.memory_space<hbm>>)
      tpu.yield
    }) : () -> ()
    return
  }
}

#map = affine_map<(d0, d1) -> (0, 0)>
#map1 = affine_map<(d0, d1) -> (0)>
#map2 = affine_map<(d0, d1) -> (0, 0, 0)>
module attributes {stable_mosaic.version = 14 : i64} {
  func.func @agg_kernel(%arg0: i32, %arg1: i32, %arg2: memref<10112x128xf32, #tpu.memory_space<hbm>>, %arg3: memref<10112x128xf32, #tpu.memory_space<hbm>>, %arg4: memref<323840xi32, #tpu.memory_space<hbm>>, %arg5: memref<323840xi32, #tpu.memory_space<hbm>>, %arg6: memref<2x10112x128xf32, #tpu.memory_space<hbm>>, %arg7: memref<128xi32, #tpu.memory_space<vmem>>, %arg8: memref<128xi32, #tpu.memory_space<vmem>>, %arg9: memref<128xi32, #tpu.memory_space<vmem>>, %arg10: memref<128xi32, #tpu.memory_space<vmem>>, %arg11: memref<128x128xf32, #tpu.memory_space<vmem>>, %arg12: memref<128x128xf32, #tpu.memory_space<vmem>>, %arg13: memref<10112x128xf32, #tpu.memory_space<vmem_shared>>, %arg14: memref<!tpu.dma_semaphore, #tpu.memory_space<semaphore_mem>>, %arg15: memref<!tpu.dma_semaphore, #tpu.memory_space<semaphore_mem>>, %arg16: memref<!tpu.dma_semaphore, #tpu.memory_space<semaphore_mem>>) attributes {dimension_semantics = [#tpu.dimension_semantics<core_parallel>, #tpu.dimension_semantics<subcore_parallel>], iteration_bounds = array<i64: 2, 16>, scalar_prefetch = 0 : i64, scratch_operands = 10 : i64, tpu.core_type = #tpu.core_type<sc_vector_subcore>, window_params = [{transform_indices = #map}, {transform_indices = #map}, {transform_indices = #map1}, {transform_indices = #map1}, {transform_indices = #map2}]} {
    %mul3A = arith.constant 632 : i32
    %mul3A_0 = arith.muli %arg1, %mul3A : i32
    %eq3A = arith.constant 0 : i32
    %eq3A_1 = arith.cmpi eq, %arg0, %eq3A : i32
    %convert_element_type3A = arith.extui %eq3A_1 : i1 to i32
    %cond3A = arith.constant 0 : i32
    %cond3A_2 = arith.cmpi ne, %convert_element_type3A, %cond3A : i32
    scf.if %cond3A_2 {
      "tpu.region"() ({
        %run_scoped3A = tpu.sem_alloc : memref<!tpu.dma_semaphore, #tpu.memory_space<semaphore_mem>>
        %dma_start3A = arith.constant 0 : i32
        %dma_start3A_18 = tpu.memref_slice %arg13[%mul3A_0, %dma_start3A] : memref<10112x128xf32, #tpu.memory_space<vmem_shared>> -> memref<632x128xf32, #tpu.memory_space<vmem_shared>>
        %dma_start3A_19 = arith.constant 0 : i32
        %dma_start3A_20 = tpu.memref_slice %arg2[%mul3A_0, %dma_start3A_19] : memref<10112x128xf32, #tpu.memory_space<hbm>> -> memref<632x128xf32, #tpu.memory_space<hbm>>
        tpu.enqueue_dma source(%dma_start3A_20 : memref<632x128xf32, #tpu.memory_space<hbm>>) target(%dma_start3A_18 : memref<632x128xf32, #tpu.memory_space<vmem_shared>>) target_semaphore(%run_scoped3A : memref<!tpu.dma_semaphore, #tpu.memory_space<semaphore_mem>>)
        %dma_wait3A = arith.constant 0 : i32
        %dma_wait3A_21 = tpu.memref_slice %arg13[%mul3A_0, %dma_wait3A] : memref<10112x128xf32, #tpu.memory_space<vmem_shared>> -> memref<632x128xf32, #tpu.memory_space<vmem_shared>>
        %dma_wait3A_22 = arith.constant 0 : i32
        %dma_wait3A_23 = tpu.memref_slice %arg2[%mul3A_0, %dma_wait3A_22] : memref<10112x128xf32, #tpu.memory_space<hbm>> -> memref<632x128xf32, #tpu.memory_space<hbm>>
        tpu.wait_dma2 semaphore(%run_scoped3A : memref<!tpu.dma_semaphore, #tpu.memory_space<semaphore_mem>>) src(%dma_wait3A_23 : memref<632x128xf32, #tpu.memory_space<hbm>>) dst(%dma_wait3A_21 : memref<632x128xf32, #tpu.memory_space<vmem_shared>>)
        tpu.yield
      }) : () -> ()
    } else {
    }
    %ne3A = arith.constant 0 : i32
    %ne3A_3 = arith.cmpi ne, %arg0, %ne3A : i32
    %convert_element_type3A_4 = arith.extui %ne3A_3 : i1 to i32
    %cond3A_5 = arith.constant 0 : i32
    %cond3A_6 = arith.cmpi ne, %convert_element_type3A_4, %cond3A_5 : i32
    scf.if %cond3A_6 {
      "tpu.region"() ({
        %run_scoped3A = tpu.sem_alloc : memref<!tpu.dma_semaphore, #tpu.memory_space<semaphore_mem>>
        %dma_start3A = arith.constant 0 : i32
        %dma_start3A_18 = tpu.memref_slice %arg13[%mul3A_0, %dma_start3A] : memref<10112x128xf32, #tpu.memory_space<vmem_shared>> -> memref<632x128xf32, #tpu.memory_space<vmem_shared>>
        %dma_start3A_19 = arith.constant 0 : i32
        %dma_start3A_20 = tpu.memref_slice %arg3[%mul3A_0, %dma_start3A_19] : memref<10112x128xf32, #tpu.memory_space<hbm>> -> memref<632x128xf32, #tpu.memory_space<hbm>>
        tpu.enqueue_dma source(%dma_start3A_20 : memref<632x128xf32, #tpu.memory_space<hbm>>) target(%dma_start3A_18 : memref<632x128xf32, #tpu.memory_space<vmem_shared>>) target_semaphore(%run_scoped3A : memref<!tpu.dma_semaphore, #tpu.memory_space<semaphore_mem>>)
        %dma_wait3A = arith.constant 0 : i32
        %dma_wait3A_21 = tpu.memref_slice %arg13[%mul3A_0, %dma_wait3A] : memref<10112x128xf32, #tpu.memory_space<vmem_shared>> -> memref<632x128xf32, #tpu.memory_space<vmem_shared>>
        %dma_wait3A_22 = arith.constant 0 : i32
        %dma_wait3A_23 = tpu.memref_slice %arg3[%mul3A_0, %dma_wait3A_22] : memref<10112x128xf32, #tpu.memory_space<hbm>> -> memref<632x128xf32, #tpu.memory_space<hbm>>
        tpu.wait_dma2 semaphore(%run_scoped3A : memref<!tpu.dma_semaphore, #tpu.memory_space<semaphore_mem>>) src(%dma_wait3A_23 : memref<632x128xf32, #tpu.memory_space<hbm>>) dst(%dma_wait3A_21 : memref<632x128xf32, #tpu.memory_space<vmem_shared>>)
        tpu.yield
      }) : () -> ()
    } else {
    }
    %barrier3A = arith.constant 0 : index
    tpu.barrier barrier_id(%barrier3A)
    %eq3A_7 = arith.constant 0 : i32
    %eq3A_8 = arith.cmpi eq, %arg0, %eq3A_7 : i32
    %convert_element_type3A_9 = arith.extui %eq3A_8 : i1 to i32
    %cond3A_10 = arith.constant 0 : i32
    %cond3A_11 = arith.cmpi ne, %convert_element_type3A_9, %cond3A_10 : i32
    scf.if %cond3A_11 {
      %mul3A_18 = arith.constant 104 : i32
      %mul3A_19 = arith.muli %arg1, %mul3A_18 : i32
      %mul3A_20 = arith.constant 128 : i32
      %mul3A_21 = arith.muli %mul3A_19, %mul3A_20 : i32
      %dma_start3A = tpu.memref_slice %arg4[%mul3A_21] : memref<323840xi32, #tpu.memory_space<hbm>> -> memref<128xi32, #tpu.memory_space<hbm>>
      %dma_start3A_22 = tpu.memref_slice %arg4[%mul3A_21] : memref<323840xi32, #tpu.memory_space<hbm>> -> memref<128xi32, #tpu.memory_space<hbm>>
      tpu.enqueue_dma source(%dma_start3A_22 : memref<128xi32, #tpu.memory_space<hbm>>) target(%arg7 : memref<128xi32, #tpu.memory_space<vmem>>) target_semaphore(%arg16 : memref<!tpu.dma_semaphore, #tpu.memory_space<semaphore_mem>>)
      %dma_start3A_23 = tpu.memref_slice %arg5[%mul3A_21] : memref<323840xi32, #tpu.memory_space<hbm>> -> memref<128xi32, #tpu.memory_space<hbm>>
      %dma_start3A_24 = tpu.memref_slice %arg5[%mul3A_21] : memref<323840xi32, #tpu.memory_space<hbm>> -> memref<128xi32, #tpu.memory_space<hbm>>
      tpu.enqueue_dma source(%dma_start3A_24 : memref<128xi32, #tpu.memory_space<hbm>>) target(%arg8 : memref<128xi32, #tpu.memory_space<vmem>>) target_semaphore(%arg16 : memref<!tpu.dma_semaphore, #tpu.memory_space<semaphore_mem>>)
      %add3A = arith.constant 128 : i32
      %add3A_25 = arith.addi %mul3A_21, %add3A : i32
      %dma_start3A_26 = tpu.memref_slice %arg4[%add3A_25] : memref<323840xi32, #tpu.memory_space<hbm>> -> memref<128xi32, #tpu.memory_space<hbm>>
      %dma_start3A_27 = tpu.memref_slice %arg4[%add3A_25] : memref<323840xi32, #tpu.memory_space<hbm>> -> memref<128xi32, #tpu.memory_space<hbm>>
      tpu.enqueue_dma source(%dma_start3A_27 : memref<128xi32, #tpu.memory_space<hbm>>) target(%arg9 : memref<128xi32, #tpu.memory_space<vmem>>) target_semaphore(%arg16 : memref<!tpu.dma_semaphore, #tpu.memory_space<semaphore_mem>>)
      %dma_start3A_28 = tpu.memref_slice %arg5[%add3A_25] : memref<323840xi32, #tpu.memory_space<hbm>> -> memref<128xi32, #tpu.memory_space<hbm>>
      %dma_start3A_29 = tpu.memref_slice %arg5[%add3A_25] : memref<323840xi32, #tpu.memory_space<hbm>> -> memref<128xi32, #tpu.memory_space<hbm>>
      tpu.enqueue_dma source(%dma_start3A_29 : memref<128xi32, #tpu.memory_space<hbm>>) target(%arg10 : memref<128xi32, #tpu.memory_space<vmem>>) target_semaphore(%arg16 : memref<!tpu.dma_semaphore, #tpu.memory_space<semaphore_mem>>)
      %dma_wait3A = tpu.memref_slice %arg4[%mul3A_21] : memref<323840xi32, #tpu.memory_space<hbm>> -> memref<128xi32, #tpu.memory_space<hbm>>
      %dma_wait3A_30 = tpu.memref_slice %arg4[%mul3A_21] : memref<323840xi32, #tpu.memory_space<hbm>> -> memref<128xi32, #tpu.memory_space<hbm>>
      tpu.wait_dma2 semaphore(%arg16 : memref<!tpu.dma_semaphore, #tpu.memory_space<semaphore_mem>>) src(%dma_wait3A_30 : memref<128xi32, #tpu.memory_space<hbm>>) dst(%arg7 : memref<128xi32, #tpu.memory_space<vmem>>)
      %dma_wait3A_31 = tpu.memref_slice %arg5[%mul3A_21] : memref<323840xi32, #tpu.memory_space<hbm>> -> memref<128xi32, #tpu.memory_space<hbm>>
      %dma_wait3A_32 = tpu.memref_slice %arg5[%mul3A_21] : memref<323840xi32, #tpu.memory_space<hbm>> -> memref<128xi32, #tpu.memory_space<hbm>>
      tpu.wait_dma2 semaphore(%arg16 : memref<!tpu.dma_semaphore, #tpu.memory_space<semaphore_mem>>) src(%dma_wait3A_32 : memref<128xi32, #tpu.memory_space<hbm>>) dst(%arg8 : memref<128xi32, #tpu.memory_space<vmem>>)
      %dma_start3A_33 = arith.constant 0 : i32
      %dma_start3A_34 = arith.constant 0 : i32
      %dma_start3A_35 = tpu.memref_slice %arg2[%dma_start3A_33, %dma_start3A_34] : memref<10112x128xf32, #tpu.memory_space<hbm>> -> memref<10112x128xf32, #tpu.memory_space<hbm>>
      tpu.enqueue_indirect_dma source(%dma_start3A_35 : memref<10112x128xf32, #tpu.memory_space<hbm>>) target(%arg11 : memref<128x128xf32, #tpu.memory_space<vmem>>) offsets(%arg7 : memref<128xi32, #tpu.memory_space<vmem>>) semaphore(%arg14 : memref<!tpu.dma_semaphore, #tpu.memory_space<semaphore_mem>>)
      %scan3A = arith.constant 0 : i32
      %scan3A_36 = arith.constant 52 : i32
      %scan3A_37 = arith.addi %scan3A, %scan3A_36 : i32
      %scan3A_38 = arith.constant 1 : i32
      scf.for %scan3A_51 = %scan3A to %scan3A_37 step %scan3A_38  : i32 {
        %mul3A_52 = arith.constant 1 : i32
        %mul3A_53 = arith.muli %scan3A_51, %mul3A_52 : i32
        %add3A_54 = arith.constant 0 : i32
        %add3A_55 = arith.addi %add3A_54, %mul3A_53 : i32
        %mul3A_56 = arith.constant 256 : i32
        %mul3A_57 = arith.muli %add3A_55, %mul3A_56 : i32
        %add3A_58 = arith.addi %mul3A_21, %mul3A_57 : i32
        %add3A_59 = arith.constant 128 : i32
        %add3A_60 = arith.addi %add3A_58, %add3A_59 : i32
        %dma_wait3A_61 = tpu.memref_slice %arg4[%add3A_60] : memref<323840xi32, #tpu.memory_space<hbm>> -> memref<128xi32, #tpu.memory_space<hbm>>
        %dma_wait3A_62 = tpu.memref_slice %arg4[%add3A_60] : memref<323840xi32, #tpu.memory_space<hbm>> -> memref<128xi32, #tpu.memory_space<hbm>>
        tpu.wait_dma2 semaphore(%arg16 : memref<!tpu.dma_semaphore, #tpu.memory_space<semaphore_mem>>) src(%dma_wait3A_62 : memref<128xi32, #tpu.memory_space<hbm>>) dst(%arg9 : memref<128xi32, #tpu.memory_space<vmem>>)
        %dma_wait3A_63 = tpu.memref_slice %arg5[%add3A_60] : memref<323840xi32, #tpu.memory_space<hbm>> -> memref<128xi32, #tpu.memory_space<hbm>>
        %dma_wait3A_64 = tpu.memref_slice %arg5[%add3A_60] : memref<323840xi32, #tpu.memory_space<hbm>> -> memref<128xi32, #tpu.memory_space<hbm>>
        tpu.wait_dma2 semaphore(%arg16 : memref<!tpu.dma_semaphore, #tpu.memory_space<semaphore_mem>>) src(%dma_wait3A_64 : memref<128xi32, #tpu.memory_space<hbm>>) dst(%arg10 : memref<128xi32, #tpu.memory_space<vmem>>)
        %dma_start3A_65 = arith.constant 0 : i32
        %dma_start3A_66 = arith.constant 0 : i32
        %dma_start3A_67 = tpu.memref_slice %arg2[%dma_start3A_65, %dma_start3A_66] : memref<10112x128xf32, #tpu.memory_space<hbm>> -> memref<10112x128xf32, #tpu.memory_space<hbm>>
        tpu.enqueue_indirect_dma source(%dma_start3A_67 : memref<10112x128xf32, #tpu.memory_space<hbm>>) target(%arg12 : memref<128x128xf32, #tpu.memory_space<vmem>>) offsets(%arg9 : memref<128xi32, #tpu.memory_space<vmem>>) semaphore(%arg15 : memref<!tpu.dma_semaphore, #tpu.memory_space<semaphore_mem>>)
        %dma_wait3A_68 = arith.constant 0 : i32
        %dma_wait3A_69 = arith.constant 0 : i32
        %dma_wait3A_70 = tpu.memref_slice %arg2[%dma_wait3A_68, %dma_wait3A_69] : memref<10112x128xf32, #tpu.memory_space<hbm>> -> memref<10112x128xf32, #tpu.memory_space<hbm>>
        tpu.wait_indirect_dma semaphore(%arg14 : memref<!tpu.dma_semaphore, #tpu.memory_space<semaphore_mem>>) src(%dma_wait3A_70 : memref<10112x128xf32, #tpu.memory_space<hbm>>) dst(%arg11 : memref<128x128xf32, #tpu.memory_space<vmem>>)
        "tpu.region"() ({
          %run_scoped3A = tpu.sem_alloc : memref<!tpu.dma_semaphore, #tpu.memory_space<semaphore_mem>>
          %dma_start3A_95 = arith.constant 0 : i32
          %dma_start3A_96 = arith.constant 0 : i32
          %dma_start3A_97 = tpu.memref_slice %arg13[%dma_start3A_95, %dma_start3A_96] : memref<10112x128xf32, #tpu.memory_space<vmem_shared>> -> memref<10112x128xf32, #tpu.memory_space<vmem_shared>>
          tpu.enqueue_indirect_dma source(%arg11 : memref<128x128xf32, #tpu.memory_space<vmem>>) target(%dma_start3A_97 : memref<10112x128xf32, #tpu.memory_space<vmem_shared>>) offsets(%arg8 : memref<128xi32, #tpu.memory_space<vmem>>) semaphore(%run_scoped3A : memref<!tpu.dma_semaphore, #tpu.memory_space<semaphore_mem>>) {add = true}
          %dma_wait3A_98 = arith.constant 0 : i32
          %dma_wait3A_99 = arith.constant 0 : i32
          %dma_wait3A_100 = tpu.memref_slice %arg13[%dma_wait3A_98, %dma_wait3A_99] : memref<10112x128xf32, #tpu.memory_space<vmem_shared>> -> memref<10112x128xf32, #tpu.memory_space<vmem_shared>>
          tpu.wait_indirect_dma semaphore(%run_scoped3A : memref<!tpu.dma_semaphore, #tpu.memory_space<semaphore_mem>>) src(%arg11 : memref<128x128xf32, #tpu.memory_space<vmem>>) dst(%dma_wait3A_100 : memref<10112x128xf32, #tpu.memory_space<vmem_shared>>)
          tpu.yield
        }) : () -> ()
        %add3A_71 = arith.constant 256 : i32
        %add3A_72 = arith.addi %add3A_58, %add3A_71 : i32
        %dma_start3A_73 = tpu.memref_slice %arg4[%add3A_72] : memref<323840xi32, #tpu.memory_space<hbm>> -> memref<128xi32, #tpu.memory_space<hbm>>
        %dma_start3A_74 = tpu.memref_slice %arg4[%add3A_72] : memref<323840xi32, #tpu.memory_space<hbm>> -> memref<128xi32, #tpu.memory_space<hbm>>
        tpu.enqueue_dma source(%dma_start3A_74 : memref<128xi32, #tpu.memory_space<hbm>>) target(%arg7 : memref<128xi32, #tpu.memory_space<vmem>>) target_semaphore(%arg16 : memref<!tpu.dma_semaphore, #tpu.memory_space<semaphore_mem>>)
        %dma_start3A_75 = tpu.memref_slice %arg5[%add3A_72] : memref<323840xi32, #tpu.memory_space<hbm>> -> memref<128xi32, #tpu.memory_space<hbm>>
        %dma_start3A_76 = tpu.memref_slice %arg5[%add3A_72] : memref<323840xi32, #tpu.memory_space<hbm>> -> memref<128xi32, #tpu.memory_space<hbm>>
        tpu.enqueue_dma source(%dma_start3A_76 : memref<128xi32, #tpu.memory_space<hbm>>) target(%arg8 : memref<128xi32, #tpu.memory_space<vmem>>) target_semaphore(%arg16 : memref<!tpu.dma_semaphore, #tpu.memory_space<semaphore_mem>>)
        %add3A_77 = arith.constant 256 : i32
        %add3A_78 = arith.addi %add3A_58, %add3A_77 : i32
        %dma_wait3A_79 = tpu.memref_slice %arg4[%add3A_78] : memref<323840xi32, #tpu.memory_space<hbm>> -> memref<128xi32, #tpu.memory_space<hbm>>
        %dma_wait3A_80 = tpu.memref_slice %arg4[%add3A_78] : memref<323840xi32, #tpu.memory_space<hbm>> -> memref<128xi32, #tpu.memory_space<hbm>>
        tpu.wait_dma2 semaphore(%arg16 : memref<!tpu.dma_semaphore, #tpu.memory_space<semaphore_mem>>) src(%dma_wait3A_80 : memref<128xi32, #tpu.memory_space<hbm>>) dst(%arg7 : memref<128xi32, #tpu.memory_space<vmem>>)
        %dma_wait3A_81 = tpu.memref_slice %arg5[%add3A_78] : memref<323840xi32, #tpu.memory_space<hbm>> -> memref<128xi32, #tpu.memory_space<hbm>>
        %dma_wait3A_82 = tpu.memref_slice %arg5[%add3A_78] : memref<323840xi32, #tpu.memory_space<hbm>> -> memref<128xi32, #tpu.memory_space<hbm>>
        tpu.wait_dma2 semaphore(%arg16 : memref<!tpu.dma_semaphore, #tpu.memory_space<semaphore_mem>>) src(%dma_wait3A_82 : memref<128xi32, #tpu.memory_space<hbm>>) dst(%arg8 : memref<128xi32, #tpu.memory_space<vmem>>)
        %dma_start3A_83 = arith.constant 0 : i32
        %dma_start3A_84 = arith.constant 0 : i32
        %dma_start3A_85 = tpu.memref_slice %arg2[%dma_start3A_83, %dma_start3A_84] : memref<10112x128xf32, #tpu.memory_space<hbm>> -> memref<10112x128xf32, #tpu.memory_space<hbm>>
        tpu.enqueue_indirect_dma source(%dma_start3A_85 : memref<10112x128xf32, #tpu.memory_space<hbm>>) target(%arg11 : memref<128x128xf32, #tpu.memory_space<vmem>>) offsets(%arg7 : memref<128xi32, #tpu.memory_space<vmem>>) semaphore(%arg14 : memref<!tpu.dma_semaphore, #tpu.memory_space<semaphore_mem>>)
        %dma_wait3A_86 = arith.constant 0 : i32
        %dma_wait3A_87 = arith.constant 0 : i32
        %dma_wait3A_88 = tpu.memref_slice %arg2[%dma_wait3A_86, %dma_wait3A_87] : memref<10112x128xf32, #tpu.memory_space<hbm>> -> memref<10112x128xf32, #tpu.memory_space<hbm>>
        tpu.wait_indirect_dma semaphore(%arg15 : memref<!tpu.dma_semaphore, #tpu.memory_space<semaphore_mem>>) src(%dma_wait3A_88 : memref<10112x128xf32, #tpu.memory_space<hbm>>) dst(%arg12 : memref<128x128xf32, #tpu.memory_space<vmem>>)
        "tpu.region"() ({
          %run_scoped3A = tpu.sem_alloc : memref<!tpu.dma_semaphore, #tpu.memory_space<semaphore_mem>>
          %dma_start3A_95 = arith.constant 0 : i32
          %dma_start3A_96 = arith.constant 0 : i32
          %dma_start3A_97 = tpu.memref_slice %arg13[%dma_start3A_95, %dma_start3A_96] : memref<10112x128xf32, #tpu.memory_space<vmem_shared>> -> memref<10112x128xf32, #tpu.memory_space<vmem_shared>>
          tpu.enqueue_indirect_dma source(%arg12 : memref<128x128xf32, #tpu.memory_space<vmem>>) target(%dma_start3A_97 : memref<10112x128xf32, #tpu.memory_space<vmem_shared>>) offsets(%arg10 : memref<128xi32, #tpu.memory_space<vmem>>) semaphore(%run_scoped3A : memref<!tpu.dma_semaphore, #tpu.memory_space<semaphore_mem>>) {add = true}
          %dma_wait3A_98 = arith.constant 0 : i32
          %dma_wait3A_99 = arith.constant 0 : i32
          %dma_wait3A_100 = tpu.memref_slice %arg13[%dma_wait3A_98, %dma_wait3A_99] : memref<10112x128xf32, #tpu.memory_space<vmem_shared>> -> memref<10112x128xf32, #tpu.memory_space<vmem_shared>>
          tpu.wait_indirect_dma semaphore(%run_scoped3A : memref<!tpu.dma_semaphore, #tpu.memory_space<semaphore_mem>>) src(%arg12 : memref<128x128xf32, #tpu.memory_space<vmem>>) dst(%dma_wait3A_100 : memref<10112x128xf32, #tpu.memory_space<vmem_shared>>)
          tpu.yield
        }) : () -> ()
        %add3A_89 = arith.constant 384 : i32
        %add3A_90 = arith.addi %add3A_58, %add3A_89 : i32
        %dma_start3A_91 = tpu.memref_slice %arg4[%add3A_90] : memref<323840xi32, #tpu.memory_space<hbm>> -> memref<128xi32, #tpu.memory_space<hbm>>
        %dma_start3A_92 = tpu.memref_slice %arg4[%add3A_90] : memref<323840xi32, #tpu.memory_space<hbm>> -> memref<128xi32, #tpu.memory_space<hbm>>
        tpu.enqueue_dma source(%dma_start3A_92 : memref<128xi32, #tpu.memory_space<hbm>>) target(%arg9 : memref<128xi32, #tpu.memory_space<vmem>>) target_semaphore(%arg16 : memref<!tpu.dma_semaphore, #tpu.memory_space<semaphore_mem>>)
        %dma_start3A_93 = tpu.memref_slice %arg5[%add3A_90] : memref<323840xi32, #tpu.memory_space<hbm>> -> memref<128xi32, #tpu.memory_space<hbm>>
        %dma_start3A_94 = tpu.memref_slice %arg5[%add3A_90] : memref<323840xi32, #tpu.memory_space<hbm>> -> memref<128xi32, #tpu.memory_space<hbm>>
        tpu.enqueue_dma source(%dma_start3A_94 : memref<128xi32, #tpu.memory_space<hbm>>) target(%arg10 : memref<128xi32, #tpu.memory_space<vmem>>) target_semaphore(%arg16 : memref<!tpu.dma_semaphore, #tpu.memory_space<semaphore_mem>>)
      }
      %scan3A_39 = arith.constant 52 : i32
      %add3A_40 = arith.constant 13312 : i32
      %add3A_41 = arith.addi %mul3A_21, %add3A_40 : i32
      %dma_wait3A_42 = arith.constant 0 : i32
      %dma_wait3A_43 = arith.constant 0 : i32
      %dma_wait3A_44 = tpu.memref_slice %arg2[%dma_wait3A_42, %dma_wait3A_43] : memref<10112x128xf32, #tpu.memory_space<hbm>> -> memref<10112x128xf32, #tpu.memory_space<hbm>>
      tpu.wait_indirect_dma semaphore(%arg14 : memref<!tpu.dma_semaphore, #tpu.memory_space<semaphore_mem>>) src(%dma_wait3A_44 : memref<10112x128xf32, #tpu.memory_space<hbm>>) dst(%arg11 : memref<128x128xf32, #tpu.memory_space<vmem>>)
      %add3A_45 = arith.constant 128 : i32
      %add3A_46 = arith.addi %add3A_41, %add3A_45 : i32
      %dma_wait3A_47 = tpu.memref_slice %arg4[%add3A_46] : memref<323840xi32, #tpu.memory_space<hbm>> -> memref<128xi32, #tpu.memory_space<hbm>>
      %dma_wait3A_48 = tpu.memref_slice %arg4[%add3A_46] : memref<323840xi32, #tpu.memory_space<hbm>> -> memref<128xi32, #tpu.memory_space<hbm>>
      tpu.wait_dma2 semaphore(%arg16 : memref<!tpu.dma_semaphore, #tpu.memory_space<semaphore_mem>>) src(%dma_wait3A_48 : memref<128xi32, #tpu.memory_space<hbm>>) dst(%arg9 : memref<128xi32, #tpu.memory_space<vmem>>)
      %dma_wait3A_49 = tpu.memref_slice %arg5[%add3A_46] : memref<323840xi32, #tpu.memory_space<hbm>> -> memref<128xi32, #tpu.memory_space<hbm>>
      %dma_wait3A_50 = tpu.memref_slice %arg5[%add3A_46] : memref<323840xi32, #tpu.memory_space<hbm>> -> memref<128xi32, #tpu.memory_space<hbm>>
      tpu.wait_dma2 semaphore(%arg16 : memref<!tpu.dma_semaphore, #tpu.memory_space<semaphore_mem>>) src(%dma_wait3A_50 : memref<128xi32, #tpu.memory_space<hbm>>) dst(%arg10 : memref<128xi32, #tpu.memory_space<vmem>>)
    } else {
    }
    %ne3A_12 = arith.constant 0 : i32
    %ne3A_13 = arith.cmpi ne, %arg0, %ne3A_12 : i32
    %convert_element_type3A_14 = arith.extui %ne3A_13 : i1 to i32
    %cond3A_15 = arith.constant 0 : i32
    %cond3A_16 = arith.cmpi ne, %convert_element_type3A_14, %cond3A_15 : i32
    scf.if %cond3A_16 {
      %mul3A_18 = arith.constant 54 : i32
      %mul3A_19 = arith.muli %arg1, %mul3A_18 : i32
      %add3A = arith.constant 1664 : i32
      %add3A_20 = arith.addi %add3A, %mul3A_19 : i32
      %mul3A_21 = arith.constant 128 : i32
      %mul3A_22 = arith.muli %add3A_20, %mul3A_21 : i32
      %dma_start3A = tpu.memref_slice %arg4[%mul3A_22] : memref<323840xi32, #tpu.memory_space<hbm>> -> memref<128xi32, #tpu.memory_space<hbm>>
      %dma_start3A_23 = tpu.memref_slice %arg4[%mul3A_22] : memref<323840xi32, #tpu.memory_space<hbm>> -> memref<128xi32, #tpu.memory_space<hbm>>
      tpu.enqueue_dma source(%dma_start3A_23 : memref<128xi32, #tpu.memory_space<hbm>>) target(%arg7 : memref<128xi32, #tpu.memory_space<vmem>>) target_semaphore(%arg16 : memref<!tpu.dma_semaphore, #tpu.memory_space<semaphore_mem>>)
      %dma_start3A_24 = tpu.memref_slice %arg5[%mul3A_22] : memref<323840xi32, #tpu.memory_space<hbm>> -> memref<128xi32, #tpu.memory_space<hbm>>
      %dma_start3A_25 = tpu.memref_slice %arg5[%mul3A_22] : memref<323840xi32, #tpu.memory_space<hbm>> -> memref<128xi32, #tpu.memory_space<hbm>>
      tpu.enqueue_dma source(%dma_start3A_25 : memref<128xi32, #tpu.memory_space<hbm>>) target(%arg8 : memref<128xi32, #tpu.memory_space<vmem>>) target_semaphore(%arg16 : memref<!tpu.dma_semaphore, #tpu.memory_space<semaphore_mem>>)
      %add3A_26 = arith.constant 128 : i32
      %add3A_27 = arith.addi %mul3A_22, %add3A_26 : i32
      %dma_start3A_28 = tpu.memref_slice %arg4[%add3A_27] : memref<323840xi32, #tpu.memory_space<hbm>> -> memref<128xi32, #tpu.memory_space<hbm>>
      %dma_start3A_29 = tpu.memref_slice %arg4[%add3A_27] : memref<323840xi32, #tpu.memory_space<hbm>> -> memref<128xi32, #tpu.memory_space<hbm>>
      tpu.enqueue_dma source(%dma_start3A_29 : memref<128xi32, #tpu.memory_space<hbm>>) target(%arg9 : memref<128xi32, #tpu.memory_space<vmem>>) target_semaphore(%arg16 : memref<!tpu.dma_semaphore, #tpu.memory_space<semaphore_mem>>)
      %dma_start3A_30 = tpu.memref_slice %arg5[%add3A_27] : memref<323840xi32, #tpu.memory_space<hbm>> -> memref<128xi32, #tpu.memory_space<hbm>>
      %dma_start3A_31 = tpu.memref_slice %arg5[%add3A_27] : memref<323840xi32, #tpu.memory_space<hbm>> -> memref<128xi32, #tpu.memory_space<hbm>>
      tpu.enqueue_dma source(%dma_start3A_31 : memref<128xi32, #tpu.memory_space<hbm>>) target(%arg10 : memref<128xi32, #tpu.memory_space<vmem>>) target_semaphore(%arg16 : memref<!tpu.dma_semaphore, #tpu.memory_space<semaphore_mem>>)
      %dma_wait3A = tpu.memref_slice %arg4[%mul3A_22] : memref<323840xi32, #tpu.memory_space<hbm>> -> memref<128xi32, #tpu.memory_space<hbm>>
      %dma_wait3A_32 = tpu.memref_slice %arg4[%mul3A_22] : memref<323840xi32, #tpu.memory_space<hbm>> -> memref<128xi32, #tpu.memory_space<hbm>>
      tpu.wait_dma2 semaphore(%arg16 : memref<!tpu.dma_semaphore, #tpu.memory_space<semaphore_mem>>) src(%dma_wait3A_32 : memref<128xi32, #tpu.memory_space<hbm>>) dst(%arg7 : memref<128xi32, #tpu.memory_space<vmem>>)
      %dma_wait3A_33 = tpu.memref_slice %arg5[%mul3A_22] : memref<323840xi32, #tpu.memory_space<hbm>> -> memref<128xi32, #tpu.memory_space<hbm>>
      %dma_wait3A_34 = tpu.memref_slice %arg5[%mul3A_22] : memref<323840xi32, #tpu.memory_space<hbm>> -> memref<128xi32, #tpu.memory_space<hbm>>
      tpu.wait_dma2 semaphore(%arg16 : memref<!tpu.dma_semaphore, #tpu.memory_space<semaphore_mem>>) src(%dma_wait3A_34 : memref<128xi32, #tpu.memory_space<hbm>>) dst(%arg8 : memref<128xi32, #tpu.memory_space<vmem>>)
      %dma_start3A_35 = arith.constant 0 : i32
      %dma_start3A_36 = arith.constant 0 : i32
      %dma_start3A_37 = tpu.memref_slice %arg2[%dma_start3A_35, %dma_start3A_36] : memref<10112x128xf32, #tpu.memory_space<hbm>> -> memref<10112x128xf32, #tpu.memory_space<hbm>>
      tpu.enqueue_indirect_dma source(%dma_start3A_37 : memref<10112x128xf32, #tpu.memory_space<hbm>>) target(%arg11 : memref<128x128xf32, #tpu.memory_space<vmem>>) offsets(%arg7 : memref<128xi32, #tpu.memory_space<vmem>>) semaphore(%arg14 : memref<!tpu.dma_semaphore, #tpu.memory_space<semaphore_mem>>)
      %scan3A = arith.constant 0 : i32
      %scan3A_38 = arith.constant 27 : i32
      %scan3A_39 = arith.addi %scan3A, %scan3A_38 : i32
      %scan3A_40 = arith.constant 1 : i32
      scf.for %scan3A_53 = %scan3A to %scan3A_39 step %scan3A_40  : i32 {
        %mul3A_54 = arith.constant 1 : i32
        %mul3A_55 = arith.muli %scan3A_53, %mul3A_54 : i32
        %add3A_56 = arith.constant 0 : i32
        %add3A_57 = arith.addi %add3A_56, %mul3A_55 : i32
        %mul3A_58 = arith.constant 256 : i32
        %mul3A_59 = arith.muli %add3A_57, %mul3A_58 : i32
        %add3A_60 = arith.addi %mul3A_22, %mul3A_59 : i32
        %add3A_61 = arith.constant 128 : i32
        %add3A_62 = arith.addi %add3A_60, %add3A_61 : i32
        %dma_wait3A_63 = tpu.memref_slice %arg4[%add3A_62] : memref<323840xi32, #tpu.memory_space<hbm>> -> memref<128xi32, #tpu.memory_space<hbm>>
        %dma_wait3A_64 = tpu.memref_slice %arg4[%add3A_62] : memref<323840xi32, #tpu.memory_space<hbm>> -> memref<128xi32, #tpu.memory_space<hbm>>
        tpu.wait_dma2 semaphore(%arg16 : memref<!tpu.dma_semaphore, #tpu.memory_space<semaphore_mem>>) src(%dma_wait3A_64 : memref<128xi32, #tpu.memory_space<hbm>>) dst(%arg9 : memref<128xi32, #tpu.memory_space<vmem>>)
        %dma_wait3A_65 = tpu.memref_slice %arg5[%add3A_62] : memref<323840xi32, #tpu.memory_space<hbm>> -> memref<128xi32, #tpu.memory_space<hbm>>
        %dma_wait3A_66 = tpu.memref_slice %arg5[%add3A_62] : memref<323840xi32, #tpu.memory_space<hbm>> -> memref<128xi32, #tpu.memory_space<hbm>>
        tpu.wait_dma2 semaphore(%arg16 : memref<!tpu.dma_semaphore, #tpu.memory_space<semaphore_mem>>) src(%dma_wait3A_66 : memref<128xi32, #tpu.memory_space<hbm>>) dst(%arg10 : memref<128xi32, #tpu.memory_space<vmem>>)
        %dma_start3A_67 = arith.constant 0 : i32
        %dma_start3A_68 = arith.constant 0 : i32
        %dma_start3A_69 = tpu.memref_slice %arg2[%dma_start3A_67, %dma_start3A_68] : memref<10112x128xf32, #tpu.memory_space<hbm>> -> memref<10112x128xf32, #tpu.memory_space<hbm>>
        tpu.enqueue_indirect_dma source(%dma_start3A_69 : memref<10112x128xf32, #tpu.memory_space<hbm>>) target(%arg12 : memref<128x128xf32, #tpu.memory_space<vmem>>) offsets(%arg9 : memref<128xi32, #tpu.memory_space<vmem>>) semaphore(%arg15 : memref<!tpu.dma_semaphore, #tpu.memory_space<semaphore_mem>>)
        %dma_wait3A_70 = arith.constant 0 : i32
        %dma_wait3A_71 = arith.constant 0 : i32
        %dma_wait3A_72 = tpu.memref_slice %arg2[%dma_wait3A_70, %dma_wait3A_71] : memref<10112x128xf32, #tpu.memory_space<hbm>> -> memref<10112x128xf32, #tpu.memory_space<hbm>>
        tpu.wait_indirect_dma semaphore(%arg14 : memref<!tpu.dma_semaphore, #tpu.memory_space<semaphore_mem>>) src(%dma_wait3A_72 : memref<10112x128xf32, #tpu.memory_space<hbm>>) dst(%arg11 : memref<128x128xf32, #tpu.memory_space<vmem>>)
        "tpu.region"() ({
          %run_scoped3A = tpu.sem_alloc : memref<!tpu.dma_semaphore, #tpu.memory_space<semaphore_mem>>
          %dma_start3A_97 = arith.constant 0 : i32
          %dma_start3A_98 = arith.constant 0 : i32
          %dma_start3A_99 = tpu.memref_slice %arg13[%dma_start3A_97, %dma_start3A_98] : memref<10112x128xf32, #tpu.memory_space<vmem_shared>> -> memref<10112x128xf32, #tpu.memory_space<vmem_shared>>
          tpu.enqueue_indirect_dma source(%arg11 : memref<128x128xf32, #tpu.memory_space<vmem>>) target(%dma_start3A_99 : memref<10112x128xf32, #tpu.memory_space<vmem_shared>>) offsets(%arg8 : memref<128xi32, #tpu.memory_space<vmem>>) semaphore(%run_scoped3A : memref<!tpu.dma_semaphore, #tpu.memory_space<semaphore_mem>>) {add = true}
          %dma_wait3A_100 = arith.constant 0 : i32
          %dma_wait3A_101 = arith.constant 0 : i32
          %dma_wait3A_102 = tpu.memref_slice %arg13[%dma_wait3A_100, %dma_wait3A_101] : memref<10112x128xf32, #tpu.memory_space<vmem_shared>> -> memref<10112x128xf32, #tpu.memory_space<vmem_shared>>
          tpu.wait_indirect_dma semaphore(%run_scoped3A : memref<!tpu.dma_semaphore, #tpu.memory_space<semaphore_mem>>) src(%arg11 : memref<128x128xf32, #tpu.memory_space<vmem>>) dst(%dma_wait3A_102 : memref<10112x128xf32, #tpu.memory_space<vmem_shared>>)
          tpu.yield
        }) : () -> ()
        %add3A_73 = arith.constant 256 : i32
        %add3A_74 = arith.addi %add3A_60, %add3A_73 : i32
        %dma_start3A_75 = tpu.memref_slice %arg4[%add3A_74] : memref<323840xi32, #tpu.memory_space<hbm>> -> memref<128xi32, #tpu.memory_space<hbm>>
        %dma_start3A_76 = tpu.memref_slice %arg4[%add3A_74] : memref<323840xi32, #tpu.memory_space<hbm>> -> memref<128xi32, #tpu.memory_space<hbm>>
        tpu.enqueue_dma source(%dma_start3A_76 : memref<128xi32, #tpu.memory_space<hbm>>) target(%arg7 : memref<128xi32, #tpu.memory_space<vmem>>) target_semaphore(%arg16 : memref<!tpu.dma_semaphore, #tpu.memory_space<semaphore_mem>>)
        %dma_start3A_77 = tpu.memref_slice %arg5[%add3A_74] : memref<323840xi32, #tpu.memory_space<hbm>> -> memref<128xi32, #tpu.memory_space<hbm>>
        %dma_start3A_78 = tpu.memref_slice %arg5[%add3A_74] : memref<323840xi32, #tpu.memory_space<hbm>> -> memref<128xi32, #tpu.memory_space<hbm>>
        tpu.enqueue_dma source(%dma_start3A_78 : memref<128xi32, #tpu.memory_space<hbm>>) target(%arg8 : memref<128xi32, #tpu.memory_space<vmem>>) target_semaphore(%arg16 : memref<!tpu.dma_semaphore, #tpu.memory_space<semaphore_mem>>)
        %add3A_79 = arith.constant 256 : i32
        %add3A_80 = arith.addi %add3A_60, %add3A_79 : i32
        %dma_wait3A_81 = tpu.memref_slice %arg4[%add3A_80] : memref<323840xi32, #tpu.memory_space<hbm>> -> memref<128xi32, #tpu.memory_space<hbm>>
        %dma_wait3A_82 = tpu.memref_slice %arg4[%add3A_80] : memref<323840xi32, #tpu.memory_space<hbm>> -> memref<128xi32, #tpu.memory_space<hbm>>
        tpu.wait_dma2 semaphore(%arg16 : memref<!tpu.dma_semaphore, #tpu.memory_space<semaphore_mem>>) src(%dma_wait3A_82 : memref<128xi32, #tpu.memory_space<hbm>>) dst(%arg7 : memref<128xi32, #tpu.memory_space<vmem>>)
        %dma_wait3A_83 = tpu.memref_slice %arg5[%add3A_80] : memref<323840xi32, #tpu.memory_space<hbm>> -> memref<128xi32, #tpu.memory_space<hbm>>
        %dma_wait3A_84 = tpu.memref_slice %arg5[%add3A_80] : memref<323840xi32, #tpu.memory_space<hbm>> -> memref<128xi32, #tpu.memory_space<hbm>>
        tpu.wait_dma2 semaphore(%arg16 : memref<!tpu.dma_semaphore, #tpu.memory_space<semaphore_mem>>) src(%dma_wait3A_84 : memref<128xi32, #tpu.memory_space<hbm>>) dst(%arg8 : memref<128xi32, #tpu.memory_space<vmem>>)
        %dma_start3A_85 = arith.constant 0 : i32
        %dma_start3A_86 = arith.constant 0 : i32
        %dma_start3A_87 = tpu.memref_slice %arg2[%dma_start3A_85, %dma_start3A_86] : memref<10112x128xf32, #tpu.memory_space<hbm>> -> memref<10112x128xf32, #tpu.memory_space<hbm>>
        tpu.enqueue_indirect_dma source(%dma_start3A_87 : memref<10112x128xf32, #tpu.memory_space<hbm>>) target(%arg11 : memref<128x128xf32, #tpu.memory_space<vmem>>) offsets(%arg7 : memref<128xi32, #tpu.memory_space<vmem>>) semaphore(%arg14 : memref<!tpu.dma_semaphore, #tpu.memory_space<semaphore_mem>>)
        %dma_wait3A_88 = arith.constant 0 : i32
        %dma_wait3A_89 = arith.constant 0 : i32
        %dma_wait3A_90 = tpu.memref_slice %arg2[%dma_wait3A_88, %dma_wait3A_89] : memref<10112x128xf32, #tpu.memory_space<hbm>> -> memref<10112x128xf32, #tpu.memory_space<hbm>>
        tpu.wait_indirect_dma semaphore(%arg15 : memref<!tpu.dma_semaphore, #tpu.memory_space<semaphore_mem>>) src(%dma_wait3A_90 : memref<10112x128xf32, #tpu.memory_space<hbm>>) dst(%arg12 : memref<128x128xf32, #tpu.memory_space<vmem>>)
        "tpu.region"() ({
          %run_scoped3A = tpu.sem_alloc : memref<!tpu.dma_semaphore, #tpu.memory_space<semaphore_mem>>
          %dma_start3A_97 = arith.constant 0 : i32
          %dma_start3A_98 = arith.constant 0 : i32
          %dma_start3A_99 = tpu.memref_slice %arg13[%dma_start3A_97, %dma_start3A_98] : memref<10112x128xf32, #tpu.memory_space<vmem_shared>> -> memref<10112x128xf32, #tpu.memory_space<vmem_shared>>
          tpu.enqueue_indirect_dma source(%arg12 : memref<128x128xf32, #tpu.memory_space<vmem>>) target(%dma_start3A_99 : memref<10112x128xf32, #tpu.memory_space<vmem_shared>>) offsets(%arg10 : memref<128xi32, #tpu.memory_space<vmem>>) semaphore(%run_scoped3A : memref<!tpu.dma_semaphore, #tpu.memory_space<semaphore_mem>>) {add = true}
          %dma_wait3A_100 = arith.constant 0 : i32
          %dma_wait3A_101 = arith.constant 0 : i32
          %dma_wait3A_102 = tpu.memref_slice %arg13[%dma_wait3A_100, %dma_wait3A_101] : memref<10112x128xf32, #tpu.memory_space<vmem_shared>> -> memref<10112x128xf32, #tpu.memory_space<vmem_shared>>
          tpu.wait_indirect_dma semaphore(%run_scoped3A : memref<!tpu.dma_semaphore, #tpu.memory_space<semaphore_mem>>) src(%arg12 : memref<128x128xf32, #tpu.memory_space<vmem>>) dst(%dma_wait3A_102 : memref<10112x128xf32, #tpu.memory_space<vmem_shared>>)
          tpu.yield
        }) : () -> ()
        %add3A_91 = arith.constant 384 : i32
        %add3A_92 = arith.addi %add3A_60, %add3A_91 : i32
        %dma_start3A_93 = tpu.memref_slice %arg4[%add3A_92] : memref<323840xi32, #tpu.memory_space<hbm>> -> memref<128xi32, #tpu.memory_space<hbm>>
        %dma_start3A_94 = tpu.memref_slice %arg4[%add3A_92] : memref<323840xi32, #tpu.memory_space<hbm>> -> memref<128xi32, #tpu.memory_space<hbm>>
        tpu.enqueue_dma source(%dma_start3A_94 : memref<128xi32, #tpu.memory_space<hbm>>) target(%arg9 : memref<128xi32, #tpu.memory_space<vmem>>) target_semaphore(%arg16 : memref<!tpu.dma_semaphore, #tpu.memory_space<semaphore_mem>>)
        %dma_start3A_95 = tpu.memref_slice %arg5[%add3A_92] : memref<323840xi32, #tpu.memory_space<hbm>> -> memref<128xi32, #tpu.memory_space<hbm>>
        %dma_start3A_96 = tpu.memref_slice %arg5[%add3A_92] : memref<323840xi32, #tpu.memory_space<hbm>> -> memref<128xi32, #tpu.memory_space<hbm>>
        tpu.enqueue_dma source(%dma_start3A_96 : memref<128xi32, #tpu.memory_space<hbm>>) target(%arg10 : memref<128xi32, #tpu.memory_space<vmem>>) target_semaphore(%arg16 : memref<!tpu.dma_semaphore, #tpu.memory_space<semaphore_mem>>)
      }
      %scan3A_41 = arith.constant 27 : i32
      %add3A_42 = arith.constant 6912 : i32
      %add3A_43 = arith.addi %mul3A_22, %add3A_42 : i32
      %dma_wait3A_44 = arith.constant 0 : i32
      %dma_wait3A_45 = arith.constant 0 : i32
      %dma_wait3A_46 = tpu.memref_slice %arg2[%dma_wait3A_44, %dma_wait3A_45] : memref<10112x128xf32, #tpu.memory_space<hbm>> -> memref<10112x128xf32, #tpu.memory_space<hbm>>
      tpu.wait_indirect_dma semaphore(%arg14 : memref<!tpu.dma_semaphore, #tpu.memory_space<semaphore_mem>>) src(%dma_wait3A_46 : memref<10112x128xf32, #tpu.memory_space<hbm>>) dst(%arg11 : memref<128x128xf32, #tpu.memory_space<vmem>>)
      %add3A_47 = arith.constant 128 : i32
      %add3A_48 = arith.addi %add3A_43, %add3A_47 : i32
      %dma_wait3A_49 = tpu.memref_slice %arg4[%add3A_48] : memref<323840xi32, #tpu.memory_space<hbm>> -> memref<128xi32, #tpu.memory_space<hbm>>
      %dma_wait3A_50 = tpu.memref_slice %arg4[%add3A_48] : memref<323840xi32, #tpu.memory_space<hbm>> -> memref<128xi32, #tpu.memory_space<hbm>>
      tpu.wait_dma2 semaphore(%arg16 : memref<!tpu.dma_semaphore, #tpu.memory_space<semaphore_mem>>) src(%dma_wait3A_50 : memref<128xi32, #tpu.memory_space<hbm>>) dst(%arg9 : memref<128xi32, #tpu.memory_space<vmem>>)
      %dma_wait3A_51 = tpu.memref_slice %arg5[%add3A_48] : memref<323840xi32, #tpu.memory_space<hbm>> -> memref<128xi32, #tpu.memory_space<hbm>>
      %dma_wait3A_52 = tpu.memref_slice %arg5[%add3A_48] : memref<323840xi32, #tpu.memory_space<hbm>> -> memref<128xi32, #tpu.memory_space<hbm>>
      tpu.wait_dma2 semaphore(%arg16 : memref<!tpu.dma_semaphore, #tpu.memory_space<semaphore_mem>>) src(%dma_wait3A_52 : memref<128xi32, #tpu.memory_space<hbm>>) dst(%arg10 : memref<128xi32, #tpu.memory_space<vmem>>)
    } else {
    }
    %barrier3A_17 = arith.constant 0 : index
    tpu.barrier barrier_id(%barrier3A_17)
    "tpu.region"() ({
      %run_scoped3A = tpu.sem_alloc : memref<!tpu.dma_semaphore, #tpu.memory_space<semaphore_mem>>
      %dma_start3A = arith.constant 0 : i32
      %dma_start3A_18 = tpu.memref_slice %arg6[%arg0, %mul3A_0, %dma_start3A] : memref<2x10112x128xf32, #tpu.memory_space<hbm>> -> memref<1x632x128xf32, #tpu.memory_space<hbm>>
      %dma_start3A_19 = tpu.memref_squeeze %dma_start3A_18 : memref<1x632x128xf32, #tpu.memory_space<hbm>> -> memref<632x128xf32, #tpu.memory_space<hbm>>
      %dma_start3A_20 = arith.constant 0 : i32
      %dma_start3A_21 = tpu.memref_slice %arg13[%mul3A_0, %dma_start3A_20] : memref<10112x128xf32, #tpu.memory_space<vmem_shared>> -> memref<632x128xf32, #tpu.memory_space<vmem_shared>>
      tpu.enqueue_dma source(%dma_start3A_21 : memref<632x128xf32, #tpu.memory_space<vmem_shared>>) target(%dma_start3A_19 : memref<632x128xf32, #tpu.memory_space<hbm>>) target_semaphore(%run_scoped3A : memref<!tpu.dma_semaphore, #tpu.memory_space<semaphore_mem>>)
      %dma_wait3A = arith.constant 0 : i32
      %dma_wait3A_22 = tpu.memref_slice %arg6[%arg0, %mul3A_0, %dma_wait3A] : memref<2x10112x128xf32, #tpu.memory_space<hbm>> -> memref<1x632x128xf32, #tpu.memory_space<hbm>>
      %dma_wait3A_23 = tpu.memref_squeeze %dma_wait3A_22 : memref<1x632x128xf32, #tpu.memory_space<hbm>> -> memref<632x128xf32, #tpu.memory_space<hbm>>
      %dma_wait3A_24 = arith.constant 0 : i32
      %dma_wait3A_25 = tpu.memref_slice %arg13[%mul3A_0, %dma_wait3A_24] : memref<10112x128xf32, #tpu.memory_space<vmem_shared>> -> memref<632x128xf32, #tpu.memory_space<vmem_shared>>
      tpu.wait_dma2 semaphore(%run_scoped3A : memref<!tpu.dma_semaphore, #tpu.memory_space<semaphore_mem>>) src(%dma_wait3A_25 : memref<632x128xf32, #tpu.memory_space<vmem_shared>>) dst(%dma_wait3A_23 : memref<632x128xf32, #tpu.memory_space<hbm>>)
      tpu.yield
    }) : () -> ()
    return
  }
}

#map = affine_map<(d0, d1) -> (0, 0)>
#map1 = affine_map<(d0, d1) -> (0)>
#map2 = affine_map<(d0, d1) -> (0, 0, 0)>
module attributes {stable_mosaic.version = 14 : i64} {
  func.func @agg_kernel(%arg0: i32, %arg1: i32, %arg2: memref<10112x128xf32, #tpu.memory_space<hbm>>, %arg3: memref<10112x128xf32, #tpu.memory_space<hbm>>, %arg4: memref<323840xi32, #tpu.memory_space<hbm>>, %arg5: memref<323840xi32, #tpu.memory_space<hbm>>, %arg6: memref<2x10112x128xf32, #tpu.memory_space<hbm>>, %arg7: memref<128xi32, #tpu.memory_space<vmem>>, %arg8: memref<128xi32, #tpu.memory_space<vmem>>, %arg9: memref<128xi32, #tpu.memory_space<vmem>>, %arg10: memref<128xi32, #tpu.memory_space<vmem>>, %arg11: memref<128x128xf32, #tpu.memory_space<vmem>>, %arg12: memref<128x128xf32, #tpu.memory_space<vmem>>, %arg13: memref<10112x128xf32, #tpu.memory_space<vmem_shared>>, %arg14: memref<!tpu.dma_semaphore, #tpu.memory_space<semaphore_mem>>, %arg15: memref<!tpu.dma_semaphore, #tpu.memory_space<semaphore_mem>>, %arg16: memref<!tpu.dma_semaphore, #tpu.memory_space<semaphore_mem>>) attributes {dimension_semantics = [#tpu.dimension_semantics<core_parallel>, #tpu.dimension_semantics<subcore_parallel>], iteration_bounds = array<i64: 2, 16>, scalar_prefetch = 0 : i64, scratch_operands = 10 : i64, tpu.core_type = #tpu.core_type<sc_vector_subcore>, window_params = [{transform_indices = #map}, {transform_indices = #map}, {transform_indices = #map1}, {transform_indices = #map1}, {transform_indices = #map2}]} {
    %mul3A = arith.constant 632 : i32
    %mul3A_0 = arith.muli %arg1, %mul3A : i32
    %eq3A = arith.constant 0 : i32
    %eq3A_1 = arith.cmpi eq, %arg0, %eq3A : i32
    %convert_element_type3A = arith.extui %eq3A_1 : i1 to i32
    %cond3A = arith.constant 0 : i32
    %cond3A_2 = arith.cmpi ne, %convert_element_type3A, %cond3A : i32
    scf.if %cond3A_2 {
      "tpu.region"() ({
        %run_scoped3A = tpu.sem_alloc : memref<!tpu.dma_semaphore, #tpu.memory_space<semaphore_mem>>
        %dma_start3A = arith.constant 0 : i32
        %dma_start3A_18 = tpu.memref_slice %arg13[%mul3A_0, %dma_start3A] : memref<10112x128xf32, #tpu.memory_space<vmem_shared>> -> memref<632x128xf32, #tpu.memory_space<vmem_shared>>
        %dma_start3A_19 = arith.constant 0 : i32
        %dma_start3A_20 = tpu.memref_slice %arg2[%mul3A_0, %dma_start3A_19] : memref<10112x128xf32, #tpu.memory_space<hbm>> -> memref<632x128xf32, #tpu.memory_space<hbm>>
        tpu.enqueue_dma source(%dma_start3A_20 : memref<632x128xf32, #tpu.memory_space<hbm>>) target(%dma_start3A_18 : memref<632x128xf32, #tpu.memory_space<vmem_shared>>) target_semaphore(%run_scoped3A : memref<!tpu.dma_semaphore, #tpu.memory_space<semaphore_mem>>)
        %dma_wait3A = arith.constant 0 : i32
        %dma_wait3A_21 = tpu.memref_slice %arg13[%mul3A_0, %dma_wait3A] : memref<10112x128xf32, #tpu.memory_space<vmem_shared>> -> memref<632x128xf32, #tpu.memory_space<vmem_shared>>
        %dma_wait3A_22 = arith.constant 0 : i32
        %dma_wait3A_23 = tpu.memref_slice %arg2[%mul3A_0, %dma_wait3A_22] : memref<10112x128xf32, #tpu.memory_space<hbm>> -> memref<632x128xf32, #tpu.memory_space<hbm>>
        tpu.wait_dma2 semaphore(%run_scoped3A : memref<!tpu.dma_semaphore, #tpu.memory_space<semaphore_mem>>) src(%dma_wait3A_23 : memref<632x128xf32, #tpu.memory_space<hbm>>) dst(%dma_wait3A_21 : memref<632x128xf32, #tpu.memory_space<vmem_shared>>)
        tpu.yield
      }) : () -> ()
    } else {
    }
    %ne3A = arith.constant 0 : i32
    %ne3A_3 = arith.cmpi ne, %arg0, %ne3A : i32
    %convert_element_type3A_4 = arith.extui %ne3A_3 : i1 to i32
    %cond3A_5 = arith.constant 0 : i32
    %cond3A_6 = arith.cmpi ne, %convert_element_type3A_4, %cond3A_5 : i32
    scf.if %cond3A_6 {
      "tpu.region"() ({
        %run_scoped3A = tpu.sem_alloc : memref<!tpu.dma_semaphore, #tpu.memory_space<semaphore_mem>>
        %dma_start3A = arith.constant 0 : i32
        %dma_start3A_18 = tpu.memref_slice %arg13[%mul3A_0, %dma_start3A] : memref<10112x128xf32, #tpu.memory_space<vmem_shared>> -> memref<632x128xf32, #tpu.memory_space<vmem_shared>>
        %dma_start3A_19 = arith.constant 0 : i32
        %dma_start3A_20 = tpu.memref_slice %arg3[%mul3A_0, %dma_start3A_19] : memref<10112x128xf32, #tpu.memory_space<hbm>> -> memref<632x128xf32, #tpu.memory_space<hbm>>
        tpu.enqueue_dma source(%dma_start3A_20 : memref<632x128xf32, #tpu.memory_space<hbm>>) target(%dma_start3A_18 : memref<632x128xf32, #tpu.memory_space<vmem_shared>>) target_semaphore(%run_scoped3A : memref<!tpu.dma_semaphore, #tpu.memory_space<semaphore_mem>>)
        %dma_wait3A = arith.constant 0 : i32
        %dma_wait3A_21 = tpu.memref_slice %arg13[%mul3A_0, %dma_wait3A] : memref<10112x128xf32, #tpu.memory_space<vmem_shared>> -> memref<632x128xf32, #tpu.memory_space<vmem_shared>>
        %dma_wait3A_22 = arith.constant 0 : i32
        %dma_wait3A_23 = tpu.memref_slice %arg3[%mul3A_0, %dma_wait3A_22] : memref<10112x128xf32, #tpu.memory_space<hbm>> -> memref<632x128xf32, #tpu.memory_space<hbm>>
        tpu.wait_dma2 semaphore(%run_scoped3A : memref<!tpu.dma_semaphore, #tpu.memory_space<semaphore_mem>>) src(%dma_wait3A_23 : memref<632x128xf32, #tpu.memory_space<hbm>>) dst(%dma_wait3A_21 : memref<632x128xf32, #tpu.memory_space<vmem_shared>>)
        tpu.yield
      }) : () -> ()
    } else {
    }
    %barrier3A = arith.constant 0 : index
    tpu.barrier barrier_id(%barrier3A)
    %eq3A_7 = arith.constant 0 : i32
    %eq3A_8 = arith.cmpi eq, %arg0, %eq3A_7 : i32
    %convert_element_type3A_9 = arith.extui %eq3A_8 : i1 to i32
    %cond3A_10 = arith.constant 0 : i32
    %cond3A_11 = arith.cmpi ne, %convert_element_type3A_9, %cond3A_10 : i32
    scf.if %cond3A_11 {
      %mul3A_18 = arith.constant 104 : i32
      %mul3A_19 = arith.muli %arg1, %mul3A_18 : i32
      %mul3A_20 = arith.constant 128 : i32
      %mul3A_21 = arith.muli %mul3A_19, %mul3A_20 : i32
      %dma_start3A = tpu.memref_slice %arg4[%mul3A_21] : memref<323840xi32, #tpu.memory_space<hbm>> -> memref<128xi32, #tpu.memory_space<hbm>>
      %dma_start3A_22 = tpu.memref_slice %arg4[%mul3A_21] : memref<323840xi32, #tpu.memory_space<hbm>> -> memref<128xi32, #tpu.memory_space<hbm>>
      tpu.enqueue_dma source(%dma_start3A_22 : memref<128xi32, #tpu.memory_space<hbm>>) target(%arg7 : memref<128xi32, #tpu.memory_space<vmem>>) target_semaphore(%arg16 : memref<!tpu.dma_semaphore, #tpu.memory_space<semaphore_mem>>)
      %dma_start3A_23 = tpu.memref_slice %arg5[%mul3A_21] : memref<323840xi32, #tpu.memory_space<hbm>> -> memref<128xi32, #tpu.memory_space<hbm>>
      %dma_start3A_24 = tpu.memref_slice %arg5[%mul3A_21] : memref<323840xi32, #tpu.memory_space<hbm>> -> memref<128xi32, #tpu.memory_space<hbm>>
      tpu.enqueue_dma source(%dma_start3A_24 : memref<128xi32, #tpu.memory_space<hbm>>) target(%arg8 : memref<128xi32, #tpu.memory_space<vmem>>) target_semaphore(%arg16 : memref<!tpu.dma_semaphore, #tpu.memory_space<semaphore_mem>>)
      %add3A = arith.constant 128 : i32
      %add3A_25 = arith.addi %mul3A_21, %add3A : i32
      %dma_start3A_26 = tpu.memref_slice %arg4[%add3A_25] : memref<323840xi32, #tpu.memory_space<hbm>> -> memref<128xi32, #tpu.memory_space<hbm>>
      %dma_start3A_27 = tpu.memref_slice %arg4[%add3A_25] : memref<323840xi32, #tpu.memory_space<hbm>> -> memref<128xi32, #tpu.memory_space<hbm>>
      tpu.enqueue_dma source(%dma_start3A_27 : memref<128xi32, #tpu.memory_space<hbm>>) target(%arg9 : memref<128xi32, #tpu.memory_space<vmem>>) target_semaphore(%arg16 : memref<!tpu.dma_semaphore, #tpu.memory_space<semaphore_mem>>)
      %dma_start3A_28 = tpu.memref_slice %arg5[%add3A_25] : memref<323840xi32, #tpu.memory_space<hbm>> -> memref<128xi32, #tpu.memory_space<hbm>>
      %dma_start3A_29 = tpu.memref_slice %arg5[%add3A_25] : memref<323840xi32, #tpu.memory_space<hbm>> -> memref<128xi32, #tpu.memory_space<hbm>>
      tpu.enqueue_dma source(%dma_start3A_29 : memref<128xi32, #tpu.memory_space<hbm>>) target(%arg10 : memref<128xi32, #tpu.memory_space<vmem>>) target_semaphore(%arg16 : memref<!tpu.dma_semaphore, #tpu.memory_space<semaphore_mem>>)
      %dma_wait3A = tpu.memref_slice %arg4[%mul3A_21] : memref<323840xi32, #tpu.memory_space<hbm>> -> memref<128xi32, #tpu.memory_space<hbm>>
      %dma_wait3A_30 = tpu.memref_slice %arg4[%mul3A_21] : memref<323840xi32, #tpu.memory_space<hbm>> -> memref<128xi32, #tpu.memory_space<hbm>>
      tpu.wait_dma2 semaphore(%arg16 : memref<!tpu.dma_semaphore, #tpu.memory_space<semaphore_mem>>) src(%dma_wait3A_30 : memref<128xi32, #tpu.memory_space<hbm>>) dst(%arg7 : memref<128xi32, #tpu.memory_space<vmem>>)
      %dma_wait3A_31 = tpu.memref_slice %arg5[%mul3A_21] : memref<323840xi32, #tpu.memory_space<hbm>> -> memref<128xi32, #tpu.memory_space<hbm>>
      %dma_wait3A_32 = tpu.memref_slice %arg5[%mul3A_21] : memref<323840xi32, #tpu.memory_space<hbm>> -> memref<128xi32, #tpu.memory_space<hbm>>
      tpu.wait_dma2 semaphore(%arg16 : memref<!tpu.dma_semaphore, #tpu.memory_space<semaphore_mem>>) src(%dma_wait3A_32 : memref<128xi32, #tpu.memory_space<hbm>>) dst(%arg8 : memref<128xi32, #tpu.memory_space<vmem>>)
      %dma_start3A_33 = arith.constant 0 : i32
      %dma_start3A_34 = arith.constant 0 : i32
      %dma_start3A_35 = tpu.memref_slice %arg2[%dma_start3A_33, %dma_start3A_34] : memref<10112x128xf32, #tpu.memory_space<hbm>> -> memref<10112x128xf32, #tpu.memory_space<hbm>>
      tpu.enqueue_indirect_dma source(%dma_start3A_35 : memref<10112x128xf32, #tpu.memory_space<hbm>>) target(%arg11 : memref<128x128xf32, #tpu.memory_space<vmem>>) offsets(%arg7 : memref<128xi32, #tpu.memory_space<vmem>>) semaphore(%arg14 : memref<!tpu.dma_semaphore, #tpu.memory_space<semaphore_mem>>)
      %scan3A = arith.constant 0 : i32
      %scan3A_36 = arith.constant 52 : i32
      %scan3A_37 = arith.addi %scan3A, %scan3A_36 : i32
      %scan3A_38 = arith.constant 1 : i32
      scf.for %scan3A_51 = %scan3A to %scan3A_37 step %scan3A_38  : i32 {
        %mul3A_52 = arith.constant 1 : i32
        %mul3A_53 = arith.muli %scan3A_51, %mul3A_52 : i32
        %add3A_54 = arith.constant 0 : i32
        %add3A_55 = arith.addi %add3A_54, %mul3A_53 : i32
        %mul3A_56 = arith.constant 256 : i32
        %mul3A_57 = arith.muli %add3A_55, %mul3A_56 : i32
        %add3A_58 = arith.addi %mul3A_21, %mul3A_57 : i32
        %add3A_59 = arith.constant 128 : i32
        %add3A_60 = arith.addi %add3A_58, %add3A_59 : i32
        %dma_wait3A_61 = tpu.memref_slice %arg4[%add3A_60] : memref<323840xi32, #tpu.memory_space<hbm>> -> memref<128xi32, #tpu.memory_space<hbm>>
        %dma_wait3A_62 = tpu.memref_slice %arg4[%add3A_60] : memref<323840xi32, #tpu.memory_space<hbm>> -> memref<128xi32, #tpu.memory_space<hbm>>
        tpu.wait_dma2 semaphore(%arg16 : memref<!tpu.dma_semaphore, #tpu.memory_space<semaphore_mem>>) src(%dma_wait3A_62 : memref<128xi32, #tpu.memory_space<hbm>>) dst(%arg9 : memref<128xi32, #tpu.memory_space<vmem>>)
        %dma_wait3A_63 = tpu.memref_slice %arg5[%add3A_60] : memref<323840xi32, #tpu.memory_space<hbm>> -> memref<128xi32, #tpu.memory_space<hbm>>
        %dma_wait3A_64 = tpu.memref_slice %arg5[%add3A_60] : memref<323840xi32, #tpu.memory_space<hbm>> -> memref<128xi32, #tpu.memory_space<hbm>>
        tpu.wait_dma2 semaphore(%arg16 : memref<!tpu.dma_semaphore, #tpu.memory_space<semaphore_mem>>) src(%dma_wait3A_64 : memref<128xi32, #tpu.memory_space<hbm>>) dst(%arg10 : memref<128xi32, #tpu.memory_space<vmem>>)
        %dma_start3A_65 = arith.constant 0 : i32
        %dma_start3A_66 = arith.constant 0 : i32
        %dma_start3A_67 = tpu.memref_slice %arg2[%dma_start3A_65, %dma_start3A_66] : memref<10112x128xf32, #tpu.memory_space<hbm>> -> memref<10112x128xf32, #tpu.memory_space<hbm>>
        tpu.enqueue_indirect_dma source(%dma_start3A_67 : memref<10112x128xf32, #tpu.memory_space<hbm>>) target(%arg12 : memref<128x128xf32, #tpu.memory_space<vmem>>) offsets(%arg9 : memref<128xi32, #tpu.memory_space<vmem>>) semaphore(%arg15 : memref<!tpu.dma_semaphore, #tpu.memory_space<semaphore_mem>>)
        %dma_wait3A_68 = arith.constant 0 : i32
        %dma_wait3A_69 = arith.constant 0 : i32
        %dma_wait3A_70 = tpu.memref_slice %arg2[%dma_wait3A_68, %dma_wait3A_69] : memref<10112x128xf32, #tpu.memory_space<hbm>> -> memref<10112x128xf32, #tpu.memory_space<hbm>>
        tpu.wait_indirect_dma semaphore(%arg14 : memref<!tpu.dma_semaphore, #tpu.memory_space<semaphore_mem>>) src(%dma_wait3A_70 : memref<10112x128xf32, #tpu.memory_space<hbm>>) dst(%arg11 : memref<128x128xf32, #tpu.memory_space<vmem>>)
        "tpu.region"() ({
          %run_scoped3A = tpu.sem_alloc : memref<!tpu.dma_semaphore, #tpu.memory_space<semaphore_mem>>
          %dma_start3A_95 = arith.constant 0 : i32
          %dma_start3A_96 = arith.constant 0 : i32
          %dma_start3A_97 = tpu.memref_slice %arg13[%dma_start3A_95, %dma_start3A_96] : memref<10112x128xf32, #tpu.memory_space<vmem_shared>> -> memref<10112x128xf32, #tpu.memory_space<vmem_shared>>
          tpu.enqueue_indirect_dma source(%arg11 : memref<128x128xf32, #tpu.memory_space<vmem>>) target(%dma_start3A_97 : memref<10112x128xf32, #tpu.memory_space<vmem_shared>>) offsets(%arg8 : memref<128xi32, #tpu.memory_space<vmem>>) semaphore(%run_scoped3A : memref<!tpu.dma_semaphore, #tpu.memory_space<semaphore_mem>>) {add = true}
          %dma_wait3A_98 = arith.constant 0 : i32
          %dma_wait3A_99 = arith.constant 0 : i32
          %dma_wait3A_100 = tpu.memref_slice %arg13[%dma_wait3A_98, %dma_wait3A_99] : memref<10112x128xf32, #tpu.memory_space<vmem_shared>> -> memref<10112x128xf32, #tpu.memory_space<vmem_shared>>
          tpu.wait_indirect_dma semaphore(%run_scoped3A : memref<!tpu.dma_semaphore, #tpu.memory_space<semaphore_mem>>) src(%arg11 : memref<128x128xf32, #tpu.memory_space<vmem>>) dst(%dma_wait3A_100 : memref<10112x128xf32, #tpu.memory_space<vmem_shared>>)
          tpu.yield
        }) : () -> ()
        %add3A_71 = arith.constant 256 : i32
        %add3A_72 = arith.addi %add3A_58, %add3A_71 : i32
        %dma_start3A_73 = tpu.memref_slice %arg4[%add3A_72] : memref<323840xi32, #tpu.memory_space<hbm>> -> memref<128xi32, #tpu.memory_space<hbm>>
        %dma_start3A_74 = tpu.memref_slice %arg4[%add3A_72] : memref<323840xi32, #tpu.memory_space<hbm>> -> memref<128xi32, #tpu.memory_space<hbm>>
        tpu.enqueue_dma source(%dma_start3A_74 : memref<128xi32, #tpu.memory_space<hbm>>) target(%arg7 : memref<128xi32, #tpu.memory_space<vmem>>) target_semaphore(%arg16 : memref<!tpu.dma_semaphore, #tpu.memory_space<semaphore_mem>>)
        %dma_start3A_75 = tpu.memref_slice %arg5[%add3A_72] : memref<323840xi32, #tpu.memory_space<hbm>> -> memref<128xi32, #tpu.memory_space<hbm>>
        %dma_start3A_76 = tpu.memref_slice %arg5[%add3A_72] : memref<323840xi32, #tpu.memory_space<hbm>> -> memref<128xi32, #tpu.memory_space<hbm>>
        tpu.enqueue_dma source(%dma_start3A_76 : memref<128xi32, #tpu.memory_space<hbm>>) target(%arg8 : memref<128xi32, #tpu.memory_space<vmem>>) target_semaphore(%arg16 : memref<!tpu.dma_semaphore, #tpu.memory_space<semaphore_mem>>)
        %add3A_77 = arith.constant 256 : i32
        %add3A_78 = arith.addi %add3A_58, %add3A_77 : i32
        %dma_wait3A_79 = tpu.memref_slice %arg4[%add3A_78] : memref<323840xi32, #tpu.memory_space<hbm>> -> memref<128xi32, #tpu.memory_space<hbm>>
        %dma_wait3A_80 = tpu.memref_slice %arg4[%add3A_78] : memref<323840xi32, #tpu.memory_space<hbm>> -> memref<128xi32, #tpu.memory_space<hbm>>
        tpu.wait_dma2 semaphore(%arg16 : memref<!tpu.dma_semaphore, #tpu.memory_space<semaphore_mem>>) src(%dma_wait3A_80 : memref<128xi32, #tpu.memory_space<hbm>>) dst(%arg7 : memref<128xi32, #tpu.memory_space<vmem>>)
        %dma_wait3A_81 = tpu.memref_slice %arg5[%add3A_78] : memref<323840xi32, #tpu.memory_space<hbm>> -> memref<128xi32, #tpu.memory_space<hbm>>
        %dma_wait3A_82 = tpu.memref_slice %arg5[%add3A_78] : memref<323840xi32, #tpu.memory_space<hbm>> -> memref<128xi32, #tpu.memory_space<hbm>>
        tpu.wait_dma2 semaphore(%arg16 : memref<!tpu.dma_semaphore, #tpu.memory_space<semaphore_mem>>) src(%dma_wait3A_82 : memref<128xi32, #tpu.memory_space<hbm>>) dst(%arg8 : memref<128xi32, #tpu.memory_space<vmem>>)
        %dma_start3A_83 = arith.constant 0 : i32
        %dma_start3A_84 = arith.constant 0 : i32
        %dma_start3A_85 = tpu.memref_slice %arg2[%dma_start3A_83, %dma_start3A_84] : memref<10112x128xf32, #tpu.memory_space<hbm>> -> memref<10112x128xf32, #tpu.memory_space<hbm>>
        tpu.enqueue_indirect_dma source(%dma_start3A_85 : memref<10112x128xf32, #tpu.memory_space<hbm>>) target(%arg11 : memref<128x128xf32, #tpu.memory_space<vmem>>) offsets(%arg7 : memref<128xi32, #tpu.memory_space<vmem>>) semaphore(%arg14 : memref<!tpu.dma_semaphore, #tpu.memory_space<semaphore_mem>>)
        %dma_wait3A_86 = arith.constant 0 : i32
        %dma_wait3A_87 = arith.constant 0 : i32
        %dma_wait3A_88 = tpu.memref_slice %arg2[%dma_wait3A_86, %dma_wait3A_87] : memref<10112x128xf32, #tpu.memory_space<hbm>> -> memref<10112x128xf32, #tpu.memory_space<hbm>>
        tpu.wait_indirect_dma semaphore(%arg15 : memref<!tpu.dma_semaphore, #tpu.memory_space<semaphore_mem>>) src(%dma_wait3A_88 : memref<10112x128xf32, #tpu.memory_space<hbm>>) dst(%arg12 : memref<128x128xf32, #tpu.memory_space<vmem>>)
        "tpu.region"() ({
          %run_scoped3A = tpu.sem_alloc : memref<!tpu.dma_semaphore, #tpu.memory_space<semaphore_mem>>
          %dma_start3A_95 = arith.constant 0 : i32
          %dma_start3A_96 = arith.constant 0 : i32
          %dma_start3A_97 = tpu.memref_slice %arg13[%dma_start3A_95, %dma_start3A_96] : memref<10112x128xf32, #tpu.memory_space<vmem_shared>> -> memref<10112x128xf32, #tpu.memory_space<vmem_shared>>
          tpu.enqueue_indirect_dma source(%arg12 : memref<128x128xf32, #tpu.memory_space<vmem>>) target(%dma_start3A_97 : memref<10112x128xf32, #tpu.memory_space<vmem_shared>>) offsets(%arg10 : memref<128xi32, #tpu.memory_space<vmem>>) semaphore(%run_scoped3A : memref<!tpu.dma_semaphore, #tpu.memory_space<semaphore_mem>>) {add = true}
          %dma_wait3A_98 = arith.constant 0 : i32
          %dma_wait3A_99 = arith.constant 0 : i32
          %dma_wait3A_100 = tpu.memref_slice %arg13[%dma_wait3A_98, %dma_wait3A_99] : memref<10112x128xf32, #tpu.memory_space<vmem_shared>> -> memref<10112x128xf32, #tpu.memory_space<vmem_shared>>
          tpu.wait_indirect_dma semaphore(%run_scoped3A : memref<!tpu.dma_semaphore, #tpu.memory_space<semaphore_mem>>) src(%arg12 : memref<128x128xf32, #tpu.memory_space<vmem>>) dst(%dma_wait3A_100 : memref<10112x128xf32, #tpu.memory_space<vmem_shared>>)
          tpu.yield
        }) : () -> ()
        %add3A_89 = arith.constant 384 : i32
        %add3A_90 = arith.addi %add3A_58, %add3A_89 : i32
        %dma_start3A_91 = tpu.memref_slice %arg4[%add3A_90] : memref<323840xi32, #tpu.memory_space<hbm>> -> memref<128xi32, #tpu.memory_space<hbm>>
        %dma_start3A_92 = tpu.memref_slice %arg4[%add3A_90] : memref<323840xi32, #tpu.memory_space<hbm>> -> memref<128xi32, #tpu.memory_space<hbm>>
        tpu.enqueue_dma source(%dma_start3A_92 : memref<128xi32, #tpu.memory_space<hbm>>) target(%arg9 : memref<128xi32, #tpu.memory_space<vmem>>) target_semaphore(%arg16 : memref<!tpu.dma_semaphore, #tpu.memory_space<semaphore_mem>>)
        %dma_start3A_93 = tpu.memref_slice %arg5[%add3A_90] : memref<323840xi32, #tpu.memory_space<hbm>> -> memref<128xi32, #tpu.memory_space<hbm>>
        %dma_start3A_94 = tpu.memref_slice %arg5[%add3A_90] : memref<323840xi32, #tpu.memory_space<hbm>> -> memref<128xi32, #tpu.memory_space<hbm>>
        tpu.enqueue_dma source(%dma_start3A_94 : memref<128xi32, #tpu.memory_space<hbm>>) target(%arg10 : memref<128xi32, #tpu.memory_space<vmem>>) target_semaphore(%arg16 : memref<!tpu.dma_semaphore, #tpu.memory_space<semaphore_mem>>)
      }
      %scan3A_39 = arith.constant 52 : i32
      %add3A_40 = arith.constant 13312 : i32
      %add3A_41 = arith.addi %mul3A_21, %add3A_40 : i32
      %dma_wait3A_42 = arith.constant 0 : i32
      %dma_wait3A_43 = arith.constant 0 : i32
      %dma_wait3A_44 = tpu.memref_slice %arg2[%dma_wait3A_42, %dma_wait3A_43] : memref<10112x128xf32, #tpu.memory_space<hbm>> -> memref<10112x128xf32, #tpu.memory_space<hbm>>
      tpu.wait_indirect_dma semaphore(%arg14 : memref<!tpu.dma_semaphore, #tpu.memory_space<semaphore_mem>>) src(%dma_wait3A_44 : memref<10112x128xf32, #tpu.memory_space<hbm>>) dst(%arg11 : memref<128x128xf32, #tpu.memory_space<vmem>>)
      %add3A_45 = arith.constant 128 : i32
      %add3A_46 = arith.addi %add3A_41, %add3A_45 : i32
      %dma_wait3A_47 = tpu.memref_slice %arg4[%add3A_46] : memref<323840xi32, #tpu.memory_space<hbm>> -> memref<128xi32, #tpu.memory_space<hbm>>
      %dma_wait3A_48 = tpu.memref_slice %arg4[%add3A_46] : memref<323840xi32, #tpu.memory_space<hbm>> -> memref<128xi32, #tpu.memory_space<hbm>>
      tpu.wait_dma2 semaphore(%arg16 : memref<!tpu.dma_semaphore, #tpu.memory_space<semaphore_mem>>) src(%dma_wait3A_48 : memref<128xi32, #tpu.memory_space<hbm>>) dst(%arg9 : memref<128xi32, #tpu.memory_space<vmem>>)
      %dma_wait3A_49 = tpu.memref_slice %arg5[%add3A_46] : memref<323840xi32, #tpu.memory_space<hbm>> -> memref<128xi32, #tpu.memory_space<hbm>>
      %dma_wait3A_50 = tpu.memref_slice %arg5[%add3A_46] : memref<323840xi32, #tpu.memory_space<hbm>> -> memref<128xi32, #tpu.memory_space<hbm>>
      tpu.wait_dma2 semaphore(%arg16 : memref<!tpu.dma_semaphore, #tpu.memory_space<semaphore_mem>>) src(%dma_wait3A_50 : memref<128xi32, #tpu.memory_space<hbm>>) dst(%arg10 : memref<128xi32, #tpu.memory_space<vmem>>)
    } else {
    }
    %ne3A_12 = arith.constant 0 : i32
    %ne3A_13 = arith.cmpi ne, %arg0, %ne3A_12 : i32
    %convert_element_type3A_14 = arith.extui %ne3A_13 : i1 to i32
    %cond3A_15 = arith.constant 0 : i32
    %cond3A_16 = arith.cmpi ne, %convert_element_type3A_14, %cond3A_15 : i32
    scf.if %cond3A_16 {
      %mul3A_18 = arith.constant 54 : i32
      %mul3A_19 = arith.muli %arg1, %mul3A_18 : i32
      %add3A = arith.constant 1664 : i32
      %add3A_20 = arith.addi %add3A, %mul3A_19 : i32
      %mul3A_21 = arith.constant 128 : i32
      %mul3A_22 = arith.muli %add3A_20, %mul3A_21 : i32
      %dma_start3A = tpu.memref_slice %arg4[%mul3A_22] : memref<323840xi32, #tpu.memory_space<hbm>> -> memref<128xi32, #tpu.memory_space<hbm>>
      %dma_start3A_23 = tpu.memref_slice %arg4[%mul3A_22] : memref<323840xi32, #tpu.memory_space<hbm>> -> memref<128xi32, #tpu.memory_space<hbm>>
      tpu.enqueue_dma source(%dma_start3A_23 : memref<128xi32, #tpu.memory_space<hbm>>) target(%arg7 : memref<128xi32, #tpu.memory_space<vmem>>) target_semaphore(%arg16 : memref<!tpu.dma_semaphore, #tpu.memory_space<semaphore_mem>>)
      %dma_start3A_24 = tpu.memref_slice %arg5[%mul3A_22] : memref<323840xi32, #tpu.memory_space<hbm>> -> memref<128xi32, #tpu.memory_space<hbm>>
      %dma_start3A_25 = tpu.memref_slice %arg5[%mul3A_22] : memref<323840xi32, #tpu.memory_space<hbm>> -> memref<128xi32, #tpu.memory_space<hbm>>
      tpu.enqueue_dma source(%dma_start3A_25 : memref<128xi32, #tpu.memory_space<hbm>>) target(%arg8 : memref<128xi32, #tpu.memory_space<vmem>>) target_semaphore(%arg16 : memref<!tpu.dma_semaphore, #tpu.memory_space<semaphore_mem>>)
      %add3A_26 = arith.constant 128 : i32
      %add3A_27 = arith.addi %mul3A_22, %add3A_26 : i32
      %dma_start3A_28 = tpu.memref_slice %arg4[%add3A_27] : memref<323840xi32, #tpu.memory_space<hbm>> -> memref<128xi32, #tpu.memory_space<hbm>>
      %dma_start3A_29 = tpu.memref_slice %arg4[%add3A_27] : memref<323840xi32, #tpu.memory_space<hbm>> -> memref<128xi32, #tpu.memory_space<hbm>>
      tpu.enqueue_dma source(%dma_start3A_29 : memref<128xi32, #tpu.memory_space<hbm>>) target(%arg9 : memref<128xi32, #tpu.memory_space<vmem>>) target_semaphore(%arg16 : memref<!tpu.dma_semaphore, #tpu.memory_space<semaphore_mem>>)
      %dma_start3A_30 = tpu.memref_slice %arg5[%add3A_27] : memref<323840xi32, #tpu.memory_space<hbm>> -> memref<128xi32, #tpu.memory_space<hbm>>
      %dma_start3A_31 = tpu.memref_slice %arg5[%add3A_27] : memref<323840xi32, #tpu.memory_space<hbm>> -> memref<128xi32, #tpu.memory_space<hbm>>
      tpu.enqueue_dma source(%dma_start3A_31 : memref<128xi32, #tpu.memory_space<hbm>>) target(%arg10 : memref<128xi32, #tpu.memory_space<vmem>>) target_semaphore(%arg16 : memref<!tpu.dma_semaphore, #tpu.memory_space<semaphore_mem>>)
      %dma_wait3A = tpu.memref_slice %arg4[%mul3A_22] : memref<323840xi32, #tpu.memory_space<hbm>> -> memref<128xi32, #tpu.memory_space<hbm>>
      %dma_wait3A_32 = tpu.memref_slice %arg4[%mul3A_22] : memref<323840xi32, #tpu.memory_space<hbm>> -> memref<128xi32, #tpu.memory_space<hbm>>
      tpu.wait_dma2 semaphore(%arg16 : memref<!tpu.dma_semaphore, #tpu.memory_space<semaphore_mem>>) src(%dma_wait3A_32 : memref<128xi32, #tpu.memory_space<hbm>>) dst(%arg7 : memref<128xi32, #tpu.memory_space<vmem>>)
      %dma_wait3A_33 = tpu.memref_slice %arg5[%mul3A_22] : memref<323840xi32, #tpu.memory_space<hbm>> -> memref<128xi32, #tpu.memory_space<hbm>>
      %dma_wait3A_34 = tpu.memref_slice %arg5[%mul3A_22] : memref<323840xi32, #tpu.memory_space<hbm>> -> memref<128xi32, #tpu.memory_space<hbm>>
      tpu.wait_dma2 semaphore(%arg16 : memref<!tpu.dma_semaphore, #tpu.memory_space<semaphore_mem>>) src(%dma_wait3A_34 : memref<128xi32, #tpu.memory_space<hbm>>) dst(%arg8 : memref<128xi32, #tpu.memory_space<vmem>>)
      %dma_start3A_35 = arith.constant 0 : i32
      %dma_start3A_36 = arith.constant 0 : i32
      %dma_start3A_37 = tpu.memref_slice %arg2[%dma_start3A_35, %dma_start3A_36] : memref<10112x128xf32, #tpu.memory_space<hbm>> -> memref<10112x128xf32, #tpu.memory_space<hbm>>
      tpu.enqueue_indirect_dma source(%dma_start3A_37 : memref<10112x128xf32, #tpu.memory_space<hbm>>) target(%arg11 : memref<128x128xf32, #tpu.memory_space<vmem>>) offsets(%arg7 : memref<128xi32, #tpu.memory_space<vmem>>) semaphore(%arg14 : memref<!tpu.dma_semaphore, #tpu.memory_space<semaphore_mem>>)
      %scan3A = arith.constant 0 : i32
      %scan3A_38 = arith.constant 27 : i32
      %scan3A_39 = arith.addi %scan3A, %scan3A_38 : i32
      %scan3A_40 = arith.constant 1 : i32
      scf.for %scan3A_53 = %scan3A to %scan3A_39 step %scan3A_40  : i32 {
        %mul3A_54 = arith.constant 1 : i32
        %mul3A_55 = arith.muli %scan3A_53, %mul3A_54 : i32
        %add3A_56 = arith.constant 0 : i32
        %add3A_57 = arith.addi %add3A_56, %mul3A_55 : i32
        %mul3A_58 = arith.constant 256 : i32
        %mul3A_59 = arith.muli %add3A_57, %mul3A_58 : i32
        %add3A_60 = arith.addi %mul3A_22, %mul3A_59 : i32
        %add3A_61 = arith.constant 128 : i32
        %add3A_62 = arith.addi %add3A_60, %add3A_61 : i32
        %dma_wait3A_63 = tpu.memref_slice %arg4[%add3A_62] : memref<323840xi32, #tpu.memory_space<hbm>> -> memref<128xi32, #tpu.memory_space<hbm>>
        %dma_wait3A_64 = tpu.memref_slice %arg4[%add3A_62] : memref<323840xi32, #tpu.memory_space<hbm>> -> memref<128xi32, #tpu.memory_space<hbm>>
        tpu.wait_dma2 semaphore(%arg16 : memref<!tpu.dma_semaphore, #tpu.memory_space<semaphore_mem>>) src(%dma_wait3A_64 : memref<128xi32, #tpu.memory_space<hbm>>) dst(%arg9 : memref<128xi32, #tpu.memory_space<vmem>>)
        %dma_wait3A_65 = tpu.memref_slice %arg5[%add3A_62] : memref<323840xi32, #tpu.memory_space<hbm>> -> memref<128xi32, #tpu.memory_space<hbm>>
        %dma_wait3A_66 = tpu.memref_slice %arg5[%add3A_62] : memref<323840xi32, #tpu.memory_space<hbm>> -> memref<128xi32, #tpu.memory_space<hbm>>
        tpu.wait_dma2 semaphore(%arg16 : memref<!tpu.dma_semaphore, #tpu.memory_space<semaphore_mem>>) src(%dma_wait3A_66 : memref<128xi32, #tpu.memory_space<hbm>>) dst(%arg10 : memref<128xi32, #tpu.memory_space<vmem>>)
        %dma_start3A_67 = arith.constant 0 : i32
        %dma_start3A_68 = arith.constant 0 : i32
        %dma_start3A_69 = tpu.memref_slice %arg2[%dma_start3A_67, %dma_start3A_68] : memref<10112x128xf32, #tpu.memory_space<hbm>> -> memref<10112x128xf32, #tpu.memory_space<hbm>>
        tpu.enqueue_indirect_dma source(%dma_start3A_69 : memref<10112x128xf32, #tpu.memory_space<hbm>>) target(%arg12 : memref<128x128xf32, #tpu.memory_space<vmem>>) offsets(%arg9 : memref<128xi32, #tpu.memory_space<vmem>>) semaphore(%arg15 : memref<!tpu.dma_semaphore, #tpu.memory_space<semaphore_mem>>)
        %dma_wait3A_70 = arith.constant 0 : i32
        %dma_wait3A_71 = arith.constant 0 : i32
        %dma_wait3A_72 = tpu.memref_slice %arg2[%dma_wait3A_70, %dma_wait3A_71] : memref<10112x128xf32, #tpu.memory_space<hbm>> -> memref<10112x128xf32, #tpu.memory_space<hbm>>
        tpu.wait_indirect_dma semaphore(%arg14 : memref<!tpu.dma_semaphore, #tpu.memory_space<semaphore_mem>>) src(%dma_wait3A_72 : memref<10112x128xf32, #tpu.memory_space<hbm>>) dst(%arg11 : memref<128x128xf32, #tpu.memory_space<vmem>>)
        "tpu.region"() ({
          %run_scoped3A = tpu.sem_alloc : memref<!tpu.dma_semaphore, #tpu.memory_space<semaphore_mem>>
          %dma_start3A_97 = arith.constant 0 : i32
          %dma_start3A_98 = arith.constant 0 : i32
          %dma_start3A_99 = tpu.memref_slice %arg13[%dma_start3A_97, %dma_start3A_98] : memref<10112x128xf32, #tpu.memory_space<vmem_shared>> -> memref<10112x128xf32, #tpu.memory_space<vmem_shared>>
          tpu.enqueue_indirect_dma source(%arg11 : memref<128x128xf32, #tpu.memory_space<vmem>>) target(%dma_start3A_99 : memref<10112x128xf32, #tpu.memory_space<vmem_shared>>) offsets(%arg8 : memref<128xi32, #tpu.memory_space<vmem>>) semaphore(%run_scoped3A : memref<!tpu.dma_semaphore, #tpu.memory_space<semaphore_mem>>) {add = true}
          %dma_wait3A_100 = arith.constant 0 : i32
          %dma_wait3A_101 = arith.constant 0 : i32
          %dma_wait3A_102 = tpu.memref_slice %arg13[%dma_wait3A_100, %dma_wait3A_101] : memref<10112x128xf32, #tpu.memory_space<vmem_shared>> -> memref<10112x128xf32, #tpu.memory_space<vmem_shared>>
          tpu.wait_indirect_dma semaphore(%run_scoped3A : memref<!tpu.dma_semaphore, #tpu.memory_space<semaphore_mem>>) src(%arg11 : memref<128x128xf32, #tpu.memory_space<vmem>>) dst(%dma_wait3A_102 : memref<10112x128xf32, #tpu.memory_space<vmem_shared>>)
          tpu.yield
        }) : () -> ()
        %add3A_73 = arith.constant 256 : i32
        %add3A_74 = arith.addi %add3A_60, %add3A_73 : i32
        %dma_start3A_75 = tpu.memref_slice %arg4[%add3A_74] : memref<323840xi32, #tpu.memory_space<hbm>> -> memref<128xi32, #tpu.memory_space<hbm>>
        %dma_start3A_76 = tpu.memref_slice %arg4[%add3A_74] : memref<323840xi32, #tpu.memory_space<hbm>> -> memref<128xi32, #tpu.memory_space<hbm>>
        tpu.enqueue_dma source(%dma_start3A_76 : memref<128xi32, #tpu.memory_space<hbm>>) target(%arg7 : memref<128xi32, #tpu.memory_space<vmem>>) target_semaphore(%arg16 : memref<!tpu.dma_semaphore, #tpu.memory_space<semaphore_mem>>)
        %dma_start3A_77 = tpu.memref_slice %arg5[%add3A_74] : memref<323840xi32, #tpu.memory_space<hbm>> -> memref<128xi32, #tpu.memory_space<hbm>>
        %dma_start3A_78 = tpu.memref_slice %arg5[%add3A_74] : memref<323840xi32, #tpu.memory_space<hbm>> -> memref<128xi32, #tpu.memory_space<hbm>>
        tpu.enqueue_dma source(%dma_start3A_78 : memref<128xi32, #tpu.memory_space<hbm>>) target(%arg8 : memref<128xi32, #tpu.memory_space<vmem>>) target_semaphore(%arg16 : memref<!tpu.dma_semaphore, #tpu.memory_space<semaphore_mem>>)
        %add3A_79 = arith.constant 256 : i32
        %add3A_80 = arith.addi %add3A_60, %add3A_79 : i32
        %dma_wait3A_81 = tpu.memref_slice %arg4[%add3A_80] : memref<323840xi32, #tpu.memory_space<hbm>> -> memref<128xi32, #tpu.memory_space<hbm>>
        %dma_wait3A_82 = tpu.memref_slice %arg4[%add3A_80] : memref<323840xi32, #tpu.memory_space<hbm>> -> memref<128xi32, #tpu.memory_space<hbm>>
        tpu.wait_dma2 semaphore(%arg16 : memref<!tpu.dma_semaphore, #tpu.memory_space<semaphore_mem>>) src(%dma_wait3A_82 : memref<128xi32, #tpu.memory_space<hbm>>) dst(%arg7 : memref<128xi32, #tpu.memory_space<vmem>>)
        %dma_wait3A_83 = tpu.memref_slice %arg5[%add3A_80] : memref<323840xi32, #tpu.memory_space<hbm>> -> memref<128xi32, #tpu.memory_space<hbm>>
        %dma_wait3A_84 = tpu.memref_slice %arg5[%add3A_80] : memref<323840xi32, #tpu.memory_space<hbm>> -> memref<128xi32, #tpu.memory_space<hbm>>
        tpu.wait_dma2 semaphore(%arg16 : memref<!tpu.dma_semaphore, #tpu.memory_space<semaphore_mem>>) src(%dma_wait3A_84 : memref<128xi32, #tpu.memory_space<hbm>>) dst(%arg8 : memref<128xi32, #tpu.memory_space<vmem>>)
        %dma_start3A_85 = arith.constant 0 : i32
        %dma_start3A_86 = arith.constant 0 : i32
        %dma_start3A_87 = tpu.memref_slice %arg2[%dma_start3A_85, %dma_start3A_86] : memref<10112x128xf32, #tpu.memory_space<hbm>> -> memref<10112x128xf32, #tpu.memory_space<hbm>>
        tpu.enqueue_indirect_dma source(%dma_start3A_87 : memref<10112x128xf32, #tpu.memory_space<hbm>>) target(%arg11 : memref<128x128xf32, #tpu.memory_space<vmem>>) offsets(%arg7 : memref<128xi32, #tpu.memory_space<vmem>>) semaphore(%arg14 : memref<!tpu.dma_semaphore, #tpu.memory_space<semaphore_mem>>)
        %dma_wait3A_88 = arith.constant 0 : i32
        %dma_wait3A_89 = arith.constant 0 : i32
        %dma_wait3A_90 = tpu.memref_slice %arg2[%dma_wait3A_88, %dma_wait3A_89] : memref<10112x128xf32, #tpu.memory_space<hbm>> -> memref<10112x128xf32, #tpu.memory_space<hbm>>
        tpu.wait_indirect_dma semaphore(%arg15 : memref<!tpu.dma_semaphore, #tpu.memory_space<semaphore_mem>>) src(%dma_wait3A_90 : memref<10112x128xf32, #tpu.memory_space<hbm>>) dst(%arg12 : memref<128x128xf32, #tpu.memory_space<vmem>>)
        "tpu.region"() ({
          %run_scoped3A = tpu.sem_alloc : memref<!tpu.dma_semaphore, #tpu.memory_space<semaphore_mem>>
          %dma_start3A_97 = arith.constant 0 : i32
          %dma_start3A_98 = arith.constant 0 : i32
          %dma_start3A_99 = tpu.memref_slice %arg13[%dma_start3A_97, %dma_start3A_98] : memref<10112x128xf32, #tpu.memory_space<vmem_shared>> -> memref<10112x128xf32, #tpu.memory_space<vmem_shared>>
          tpu.enqueue_indirect_dma source(%arg12 : memref<128x128xf32, #tpu.memory_space<vmem>>) target(%dma_start3A_99 : memref<10112x128xf32, #tpu.memory_space<vmem_shared>>) offsets(%arg10 : memref<128xi32, #tpu.memory_space<vmem>>) semaphore(%run_scoped3A : memref<!tpu.dma_semaphore, #tpu.memory_space<semaphore_mem>>) {add = true}
          %dma_wait3A_100 = arith.constant 0 : i32
          %dma_wait3A_101 = arith.constant 0 : i32
          %dma_wait3A_102 = tpu.memref_slice %arg13[%dma_wait3A_100, %dma_wait3A_101] : memref<10112x128xf32, #tpu.memory_space<vmem_shared>> -> memref<10112x128xf32, #tpu.memory_space<vmem_shared>>
          tpu.wait_indirect_dma semaphore(%run_scoped3A : memref<!tpu.dma_semaphore, #tpu.memory_space<semaphore_mem>>) src(%arg12 : memref<128x128xf32, #tpu.memory_space<vmem>>) dst(%dma_wait3A_102 : memref<10112x128xf32, #tpu.memory_space<vmem_shared>>)
          tpu.yield
        }) : () -> ()
        %add3A_91 = arith.constant 384 : i32
        %add3A_92 = arith.addi %add3A_60, %add3A_91 : i32
        %dma_start3A_93 = tpu.memref_slice %arg4[%add3A_92] : memref<323840xi32, #tpu.memory_space<hbm>> -> memref<128xi32, #tpu.memory_space<hbm>>
        %dma_start3A_94 = tpu.memref_slice %arg4[%add3A_92] : memref<323840xi32, #tpu.memory_space<hbm>> -> memref<128xi32, #tpu.memory_space<hbm>>
        tpu.enqueue_dma source(%dma_start3A_94 : memref<128xi32, #tpu.memory_space<hbm>>) target(%arg9 : memref<128xi32, #tpu.memory_space<vmem>>) target_semaphore(%arg16 : memref<!tpu.dma_semaphore, #tpu.memory_space<semaphore_mem>>)
        %dma_start3A_95 = tpu.memref_slice %arg5[%add3A_92] : memref<323840xi32, #tpu.memory_space<hbm>> -> memref<128xi32, #tpu.memory_space<hbm>>
        %dma_start3A_96 = tpu.memref_slice %arg5[%add3A_92] : memref<323840xi32, #tpu.memory_space<hbm>> -> memref<128xi32, #tpu.memory_space<hbm>>
        tpu.enqueue_dma source(%dma_start3A_96 : memref<128xi32, #tpu.memory_space<hbm>>) target(%arg10 : memref<128xi32, #tpu.memory_space<vmem>>) target_semaphore(%arg16 : memref<!tpu.dma_semaphore, #tpu.memory_space<semaphore_mem>>)
      }
      %scan3A_41 = arith.constant 27 : i32
      %add3A_42 = arith.constant 6912 : i32
      %add3A_43 = arith.addi %mul3A_22, %add3A_42 : i32
      %dma_wait3A_44 = arith.constant 0 : i32
      %dma_wait3A_45 = arith.constant 0 : i32
      %dma_wait3A_46 = tpu.memref_slice %arg2[%dma_wait3A_44, %dma_wait3A_45] : memref<10112x128xf32, #tpu.memory_space<hbm>> -> memref<10112x128xf32, #tpu.memory_space<hbm>>
      tpu.wait_indirect_dma semaphore(%arg14 : memref<!tpu.dma_semaphore, #tpu.memory_space<semaphore_mem>>) src(%dma_wait3A_46 : memref<10112x128xf32, #tpu.memory_space<hbm>>) dst(%arg11 : memref<128x128xf32, #tpu.memory_space<vmem>>)
      %add3A_47 = arith.constant 128 : i32
      %add3A_48 = arith.addi %add3A_43, %add3A_47 : i32
      %dma_wait3A_49 = tpu.memref_slice %arg4[%add3A_48] : memref<323840xi32, #tpu.memory_space<hbm>> -> memref<128xi32, #tpu.memory_space<hbm>>
      %dma_wait3A_50 = tpu.memref_slice %arg4[%add3A_48] : memref<323840xi32, #tpu.memory_space<hbm>> -> memref<128xi32, #tpu.memory_space<hbm>>
      tpu.wait_dma2 semaphore(%arg16 : memref<!tpu.dma_semaphore, #tpu.memory_space<semaphore_mem>>) src(%dma_wait3A_50 : memref<128xi32, #tpu.memory_space<hbm>>) dst(%arg9 : memref<128xi32, #tpu.memory_space<vmem>>)
      %dma_wait3A_51 = tpu.memref_slice %arg5[%add3A_48] : memref<323840xi32, #tpu.memory_space<hbm>> -> memref<128xi32, #tpu.memory_space<hbm>>
      %dma_wait3A_52 = tpu.memref_slice %arg5[%add3A_48] : memref<323840xi32, #tpu.memory_space<hbm>> -> memref<128xi32, #tpu.memory_space<hbm>>
      tpu.wait_dma2 semaphore(%arg16 : memref<!tpu.dma_semaphore, #tpu.memory_space<semaphore_mem>>) src(%dma_wait3A_52 : memref<128xi32, #tpu.memory_space<hbm>>) dst(%arg10 : memref<128xi32, #tpu.memory_space<vmem>>)
    } else {
    }
    %barrier3A_17 = arith.constant 0 : index
    tpu.barrier barrier_id(%barrier3A_17)
    "tpu.region"() ({
      %run_scoped3A = tpu.sem_alloc : memref<!tpu.dma_semaphore, #tpu.memory_space<semaphore_mem>>
      %dma_start3A = arith.constant 0 : i32
      %dma_start3A_18 = tpu.memref_slice %arg6[%arg0, %mul3A_0, %dma_start3A] : memref<2x10112x128xf32, #tpu.memory_space<hbm>> -> memref<1x632x128xf32, #tpu.memory_space<hbm>>
      %dma_start3A_19 = tpu.memref_squeeze %dma_start3A_18 : memref<1x632x128xf32, #tpu.memory_space<hbm>> -> memref<632x128xf32, #tpu.memory_space<hbm>>
      %dma_start3A_20 = arith.constant 0 : i32
      %dma_start3A_21 = tpu.memref_slice %arg13[%mul3A_0, %dma_start3A_20] : memref<10112x128xf32, #tpu.memory_space<vmem_shared>> -> memref<632x128xf32, #tpu.memory_space<vmem_shared>>
      tpu.enqueue_dma source(%dma_start3A_21 : memref<632x128xf32, #tpu.memory_space<vmem_shared>>) target(%dma_start3A_19 : memref<632x128xf32, #tpu.memory_space<hbm>>) target_semaphore(%run_scoped3A : memref<!tpu.dma_semaphore, #tpu.memory_space<semaphore_mem>>)
      %dma_wait3A = arith.constant 0 : i32
      %dma_wait3A_22 = tpu.memref_slice %arg6[%arg0, %mul3A_0, %dma_wait3A] : memref<2x10112x128xf32, #tpu.memory_space<hbm>> -> memref<1x632x128xf32, #tpu.memory_space<hbm>>
      %dma_wait3A_23 = tpu.memref_squeeze %dma_wait3A_22 : memref<1x632x128xf32, #tpu.memory_space<hbm>> -> memref<632x128xf32, #tpu.memory_space<hbm>>
      %dma_wait3A_24 = arith.constant 0 : i32
      %dma_wait3A_25 = tpu.memref_slice %arg13[%mul3A_0, %dma_wait3A_24] : memref<10112x128xf32, #tpu.memory_space<vmem_shared>> -> memref<632x128xf32, #tpu.memory_space<vmem_shared>>
      tpu.wait_dma2 semaphore(%run_scoped3A : memref<!tpu.dma_semaphore, #tpu.memory_space<semaphore_mem>>) src(%dma_wait3A_25 : memref<632x128xf32, #tpu.memory_space<vmem_shared>>) dst(%dma_wait3A_23 : memref<632x128xf32, #tpu.memory_space<hbm>>)
      tpu.yield
    }) : () -> ()
    return
  }
}

module attributes {stable_mosaic.version = 14 : i64} {
  func.func @_mm_scale_body(%arg0: memref<10000x128xf32, #tpu.memory_space<vmem>>, %arg1: memref<128x128xf32, #tpu.memory_space<vmem>>, %arg2: memref<10000x1xf32, #tpu.memory_space<vmem>>, %arg3: memref<10112x128xf32, #tpu.memory_space<vmem>>) attributes {dimension_semantics = [], scalar_prefetch = 0 : i64, scratch_operands = 0 : i64, tpu.core_type = #tpu.core_type<tc>} {
    %get3A = arith.constant 0 : index
    %get3A_0 = arith.constant 0 : index
    %get3A_1 = vector.load %arg2[%get3A, %get3A_0] : memref<10000x1xf32, #tpu.memory_space<vmem>>, vector<10000x1xf32>
    %rsqrt3A = math.rsqrt %get3A_1 : vector<10000x1xf32>
    %get3A_2 = arith.constant 0 : index
    %get3A_3 = arith.constant 0 : index
    %get3A_4 = vector.load %arg0[%get3A_2, %get3A_3] : memref<10000x128xf32, #tpu.memory_space<vmem>>, vector<10000x128xf32>
    %get3A_5 = arith.constant 0 : index
    %get3A_6 = arith.constant 0 : index
    %get3A_7 = vector.load %arg1[%get3A_5, %get3A_6] : memref<128x128xf32, #tpu.memory_space<vmem>>, vector<128x128xf32>
    %dot_general3A = arith.constant dense<0.000000e+00> : vector<10000x128xf32>
    %dot_general3A_8 = tpu.matmul %get3A_4, %get3A_7, %dot_general3A {dimension_numbers = #tpu.dot_dimension_numbers<[1], [0], [0], [1], [0, 0, 1, 1], [], []>, transpose_lhs_hint = false} : vector<10000x128xf32>, vector<128x128xf32>, vector<10000x128xf32> -> vector<10000x128xf32>
    %mul3A = vector.broadcast %rsqrt3A : vector<10000x1xf32> to vector<10000x128xf32>
    %mul3A_9 = arith.mulf %dot_general3A_8, %mul3A : vector<10000x128xf32>
    %swap3A = arith.constant 0 : index
    %swap3A_10 = arith.constant 0 : index
    %swap3A_11 = vector.load %arg3[%swap3A, %swap3A_10] : memref<10112x128xf32, #tpu.memory_space<vmem>>, vector<10000x128xf32>
    tpu.vector_store %arg3[%swap3A, %swap3A_10], %mul3A_9 {strides = array<i32>} : memref<10112x128xf32, #tpu.memory_space<vmem>>, vector<10000x128xf32>,
    return
  }
}

module attributes {stable_mosaic.version = 14 : i64} {
  func.func @_mid_body(%arg0: memref<2x10112x128xf32, #tpu.memory_space<vmem>>, %arg1: memref<10000x1xf32, #tpu.memory_space<vmem>>, %arg2: memref<1x128xf32, #tpu.memory_space<vmem>>, %arg3: memref<128x128xf32, #tpu.memory_space<vmem>>, %arg4: memref<10112x128xf32, #tpu.memory_space<vmem>>) attributes {dimension_semantics = [], scalar_prefetch = 0 : i64, scratch_operands = 0 : i64, tpu.core_type = #tpu.core_type<tc>} {
    %get3A = arith.constant 0 : index
    %get3A_0 = arith.constant 0 : index
    %get3A_1 = vector.load %arg1[%get3A, %get3A_0] : memref<10000x1xf32, #tpu.memory_space<vmem>>, vector<10000x1xf32>
    %rsqrt3A = math.rsqrt %get3A_1 : vector<10000x1xf32>
    %get3A_2 = arith.constant 0 : index
    %get3A_3 = arith.constant 0 : index
    %get3A_4 = arith.constant 0 : index
    %get3A_5 = vector.load %arg0[%get3A_2, %get3A_3, %get3A_4] : memref<2x10112x128xf32, #tpu.memory_space<vmem>>, vector<1x10000x128xf32>
    %get3A_6 = vector.shape_cast %get3A_5 : vector<1x10000x128xf32> to vector<10000x128xf32>
    %get3A_7 = arith.constant 1 : index
    %get3A_8 = arith.constant 0 : index
    %get3A_9 = arith.constant 0 : index
    %get3A_10 = vector.load %arg0[%get3A_7, %get3A_8, %get3A_9] : memref<2x10112x128xf32, #tpu.memory_space<vmem>>, vector<1x10000x128xf32>
    %get3A_11 = vector.shape_cast %get3A_10 : vector<1x10000x128xf32> to vector<10000x128xf32>
    %add3A = arith.addf %get3A_6, %get3A_11 : vector<10000x128xf32>
    %mul3A = vector.broadcast %rsqrt3A : vector<10000x1xf32> to vector<10000x128xf32>
    %mul3A_12 = arith.mulf %add3A, %mul3A : vector<10000x128xf32>
    %get3A_13 = arith.constant 0 : index
    %get3A_14 = arith.constant 0 : index
    %get3A_15 = vector.load %arg2[%get3A_13, %get3A_14] : memref<1x128xf32, #tpu.memory_space<vmem>>, vector<1x128xf32>
    %add3A_16 = vector.broadcast %get3A_15 : vector<1x128xf32> to vector<10000x128xf32>
    %add3A_17 = arith.addf %mul3A_12, %add3A_16 : vector<10000x128xf32>
    %max3A = arith.constant 0.000000e+00 : f32
    %max3A_18 = vector.broadcast %max3A : f32 to vector<10000x128xf32>
    %max3A_19 = arith.maximumf %add3A_17, %max3A_18 : vector<10000x128xf32>
    %get3A_20 = arith.constant 0 : index
    %get3A_21 = arith.constant 0 : index
    %get3A_22 = vector.load %arg3[%get3A_20, %get3A_21] : memref<128x128xf32, #tpu.memory_space<vmem>>, vector<128x128xf32>
    %dot_general3A = arith.constant dense<0.000000e+00> : vector<10000x128xf32>
    %dot_general3A_23 = tpu.matmul %max3A_19, %get3A_22, %dot_general3A {dimension_numbers = #tpu.dot_dimension_numbers<[1], [0], [0], [1], [0, 0, 1, 1], [], []>, transpose_lhs_hint = false} : vector<10000x128xf32>, vector<128x128xf32>, vector<10000x128xf32> -> vector<10000x128xf32>
    %mul3A_24 = vector.broadcast %rsqrt3A : vector<10000x1xf32> to vector<10000x128xf32>
    %mul3A_25 = arith.mulf %dot_general3A_23, %mul3A_24 : vector<10000x128xf32>
    %swap3A = arith.constant 0 : index
    %swap3A_26 = arith.constant 0 : index
    %swap3A_27 = vector.load %arg4[%swap3A, %swap3A_26] : memref<10112x128xf32, #tpu.memory_space<vmem>>, vector<10000x128xf32>
    tpu.vector_store %arg4[%swap3A, %swap3A_26], %mul3A_25 {strides = array<i32>} : memref<10112x128xf32, #tpu.memory_space<vmem>>, vector<10000x128xf32>,
    return
  }
}

module attributes {stable_mosaic.version = 14 : i64} {
  func.func @_final_body(%arg0: memref<2x10112x128xf32, #tpu.memory_space<vmem>>, %arg1: memref<10000x1xf32, #tpu.memory_space<vmem>>, %arg2: memref<1x128xf32, #tpu.memory_space<vmem>>, %arg3: memref<128x64xf32, #tpu.memory_space<vmem>>, %arg4: memref<1x64xf32, #tpu.memory_space<vmem>>, %arg5: memref<10000x64xf32, #tpu.memory_space<vmem>>, %arg6: memref<10000x128xf32, #tpu.memory_space<vmem>>) attributes {dimension_semantics = [], scalar_prefetch = 0 : i64, scratch_operands = 0 : i64, tpu.core_type = #tpu.core_type<tc>} {
    %get3A = arith.constant 0 : index
    %get3A_0 = arith.constant 0 : index
    %get3A_1 = vector.load %arg1[%get3A, %get3A_0] : memref<10000x1xf32, #tpu.memory_space<vmem>>, vector<10000x1xf32>
    %rsqrt3A = math.rsqrt %get3A_1 : vector<10000x1xf32>
    %get3A_2 = arith.constant 0 : index
    %get3A_3 = arith.constant 0 : index
    %get3A_4 = arith.constant 0 : index
    %get3A_5 = vector.load %arg0[%get3A_2, %get3A_3, %get3A_4] : memref<2x10112x128xf32, #tpu.memory_space<vmem>>, vector<1x10000x128xf32>
    %get3A_6 = vector.shape_cast %get3A_5 : vector<1x10000x128xf32> to vector<10000x128xf32>
    %get3A_7 = arith.constant 1 : index
    %get3A_8 = arith.constant 0 : index
    %get3A_9 = arith.constant 0 : index
    %get3A_10 = vector.load %arg0[%get3A_7, %get3A_8, %get3A_9] : memref<2x10112x128xf32, #tpu.memory_space<vmem>>, vector<1x10000x128xf32>
    %get3A_11 = vector.shape_cast %get3A_10 : vector<1x10000x128xf32> to vector<10000x128xf32>
    %add3A = arith.addf %get3A_6, %get3A_11 : vector<10000x128xf32>
    %mul3A = vector.broadcast %rsqrt3A : vector<10000x1xf32> to vector<10000x128xf32>
    %mul3A_12 = arith.mulf %add3A, %mul3A : vector<10000x128xf32>
    %get3A_13 = arith.constant 0 : index
    %get3A_14 = arith.constant 0 : index
    %get3A_15 = vector.load %arg2[%get3A_13, %get3A_14] : memref<1x128xf32, #tpu.memory_space<vmem>>, vector<1x128xf32>
    %add3A_16 = vector.broadcast %get3A_15 : vector<1x128xf32> to vector<10000x128xf32>
    %add3A_17 = arith.addf %mul3A_12, %add3A_16 : vector<10000x128xf32>
    %max3A = arith.constant 0.000000e+00 : f32
    %max3A_18 = vector.broadcast %max3A : f32 to vector<10000x128xf32>
    %max3A_19 = arith.maximumf %add3A_17, %max3A_18 : vector<10000x128xf32>
    %swap3A = arith.constant 0 : index
    %swap3A_20 = arith.constant 0 : index
    %swap3A_21 = vector.load %arg6[%swap3A, %swap3A_20] : memref<10000x128xf32, #tpu.memory_space<vmem>>, vector<10000x128xf32>
    tpu.vector_store %arg6[%swap3A, %swap3A_20], %max3A_19 {strides = array<i32>} : memref<10000x128xf32, #tpu.memory_space<vmem>>, vector<10000x128xf32>,
    %get3A_22 = arith.constant 0 : index
    %get3A_23 = arith.constant 0 : index
    %get3A_24 = vector.load %arg3[%get3A_22, %get3A_23] : memref<128x64xf32, #tpu.memory_space<vmem>>, vector<128x64xf32>
    %dot_general3A = arith.constant dense<0.000000e+00> : vector<10000x64xf32>
    %dot_general3A_25 = tpu.matmul %max3A_19, %get3A_24, %dot_general3A {dimension_numbers = #tpu.dot_dimension_numbers<[1], [0], [0], [1], [0, 0, 1, 1], [], []>, transpose_lhs_hint = false} : vector<10000x128xf32>, vector<128x64xf32>, vector<10000x64xf32> -> vector<10000x64xf32>
    %get3A_26 = arith.constant 0 : index
    %get3A_27 = arith.constant 0 : index
    %get3A_28 = vector.load %arg4[%get3A_26, %get3A_27] : memref<1x64xf32, #tpu.memory_space<vmem>>, vector<1x64xf32>
    %add3A_29 = vector.broadcast %get3A_28 : vector<1x64xf32> to vector<10000x64xf32>
    %add3A_30 = arith.addf %dot_general3A_25, %add3A_29 : vector<10000x64xf32>
    %swap3A_31 = arith.constant 0 : index
    %swap3A_32 = arith.constant 0 : index
    %swap3A_33 = vector.load %arg5[%swap3A_31, %swap3A_32] : memref<10000x64xf32, #tpu.memory_space<vmem>>, vector<10000x64xf32>
    tpu.vector_store %arg5[%swap3A_31, %swap3A_32], %add3A_30 {strides = array<i32>} : memref<10000x64xf32, #tpu.memory_space<vmem>>, vector<10000x64xf32>,
    return
  }
}

</mosaic_0001>

<sc_bundles>
// kernel: kernel.11.cloned.1.call-start
scs
__scs_entry_jumppad:
0x0: {  	(pc) =	sbr.rel $0x88, $3  }
0x1: {  	(tag) =	ssettag $0x0;
	lr =	simm.s32 $0x1  }
0x2: {  	[smem:$0x3F99] =	sst lr;
	_ =	strace $0xD0000000  }
0x3: {  	_ = 	snop  }
0x4: {  	_ = 	snop  }
0x5: {  	_ = 	snop  }
0x6: {  	_ = 	snop  }
0x7: {  	_ = 	snop  }
__scs_overlays_trampoline_lowered:
0x8: {  	[smem:$0x3FA8] =	sst s0  }
0x9: {  	[smem:$0x3FA9] =	sst s1  }
0xa: {  	[smem:$0x3FAA] =	sst s2  }
0xb: {  	[smem:$0x3FAB] =	sst s3  }
0xc: {  	[smem:$0x3FAC] =	sst s4  }
0xd: {  	[smem:$0x3FAD] =	sst s5  }
0xe: {  	[smem:$0x3FAE] =	sst s6  }
0xf: {  	[smem:$0x3FAF] =	sst s7  }
0x10: {  	[smem:$0x3FB0] =	sst s8  }
0x11: {  	[smem:$0x3FB1] =	sst s9;
	s0 =	simm.s32 @!p0 $0x0  }
0x12: {  	s1 =	sld [smem:$0x3F97];
	s0 =	simm.s32 @p0 $0x1  }
0x13: {  	[smem:$0x3FB2] =	sst s0;
	s0 =	simm.s32 @!p1 $0x0  }
0x14: {  	s2 =	sld [smem:$0x3F96];
	s0 =	simm.s32 @p1 $0x1  }
0x15: {  	[smem:$0x3FB3] =	sst s0;
	s0 =	simm.s32 @!p2 $0x0  }
0x16: {  	s3 =	sld [smem:$0x3FDB];
	s0 =	simm.s32 @p2 $0x1  }
0x17: {  	s4 =	simm.s32 $0x1BF5;
	[smem:$0x3FB5] =	sst s0  }
0x18: {  	s0 =	sld [smem:$0x3F98];
	_ =	swait.ge [sflag:s4], $0x0  }
0x19: {  	s7 =	sld [smem:$0x3F99]  }
0x1a: {  	s8 =	sadd.s32 $0xFFFFE003, lr  }
0x1b: {  	s9 =	sadd.s32 $0xFFFFFEF7, lr;
	s5 =	simm.s32 $0xFFFFFFFF;
	p2 =	slt.u32 s8, $0xFFFFF086  }
0x1c: {  	p1 =	slt.u32 s9, $0xF7A;
	s5 =	simm.s32 @!p2 $0x0  }
0x1d: {  	s5 =	simm.s32 @p1 $0x1;
	p0 =	seq.s32 s7, s2  }
0x1e: {  	s7 =	smul.u32 @!p0 $0xF7A, s2;
	p2 =	seq.s32 @!p0 s5, $0x0  }
0x1f: {  	s9 =	smul.u32 $0xF7A, s1;
	s8 =	simm.s32 @!p0 $0x1BF5;
	p2 =	por !p2, p0  }
0x20: {  	[sflag:s8] =	ssyncset.s32 @!p0 $0xFFFFF086;
	s6 =	sadd.s32 @!p0 s3, s7;
	s7 =	simm.s32 @!p0 $0x108  }
0x21: {  	s3 =	sadd.s32 s3, s9;
	s6 =	sadd.s32 @!p0 $0x88, s6;
	s7 =	simm.s32 @p2 $0x1082  }
0x22: {  	[simem:s7], [sflag:s8] =	dma.local @!p0 [hbm:s6], $0xF7A  }
0x23: {  	s9 =	sor.u32 $0xD0000000, s2;
	s6 =	simm.s32 $0x108;
	_ =	swait.ge @!p0 [sflag:s8], $0x0  }
0x24: {  	s3 =	sadd.s32 $0x88, s3;
	s6 =	simm.s32 @!p1 $0x1082;
	[sflag:s4] =	ssyncset.s32 $0xFFFFF086  }
0x25: {  	[simem:s6], [sflag:s4] =	dma.local [hbm:s3], $0xF7A  }
0x26: {  	[smem:$0x3F99] =	sst s1;
	(tag) =	ssettag s2;
	_ =	strace s9  }
0x27: {  	s1 =	sld [smem:$0x3FA9]  }
0x28: {  	s2 =	sld [smem:$0x3FAA]  }
0x29: {  	s4 =	sld [smem:$0x3FAC]  }
0x2a: {  	p0 =	seq.s32 s5, $0x0;
	s5 =	sld [smem:$0x3FAD]  }
0x2b: {  	s6 =	sld [smem:$0x3FAE]  }
0x2c: {  	s7 =	sld [smem:$0x3FAF]  }
0x2d: {  	s3 =	simm.s32 $0x108;
	s8 =	sld [smem:$0x3FB0]  }
0x2e: {  	s3 =	simm.s32 @!p0 $0x1082;
	s9 =	sld [smem:$0x3FB1]  }
0x2f: {  	lr =	sadd.s32 s0, s3;
	s0 =	sld [smem:$0x3FA8]  }
0x30: {  	s3 =	sld [smem:$0x3FAB]  }
0x31: {  	[smem:$0x3FB4] =	sst s10  }
0x32: {  	s10 =	sld [smem:$0x3FB2];
	_ =	sdelay $0x3  }
0x33: {  	p0 =	seq.s32 s10, $0x1;
	s10 =	sld [smem:$0x3FB4];
	_ =	sdelay $0x3  }
0x34: {  	[smem:$0x3FB4] =	sst s10  }
0x35: {  	s10 =	sld [smem:$0x3FB3];
	_ =	sdelay $0x3  }
0x36: {  	p1 =	seq.s32 s10, $0x1;
	s10 =	sld [smem:$0x3FB4];
	_ =	sdelay $0x3  }
0x37: {  	[smem:$0x3FB4] =	sst s10  }
0x38: {  	s10 =	sld [smem:$0x3FB5]  }
0x39: {  	_ = 	snop;
	(pc) =	sbr.ind lr, $3  }
0x3a: {  	_ = 	snop  }
0x3b: {  	_ = 	snop  }
0x3c: {  	p2 =	seq.s32 s10, $0x1;
	s10 =	sld [smem:$0x3FB4]  }
0x3d: {  	_ =	shalt  }
0x3e: {  	_ =	shalt  }
0x3f: {  	_ =	shalt  }
0x40: {  	_ =	shalt  }
0x41: {  	_ =	shalt  }
0x42: {  	_ =	shalt  }
0x43: {  	_ =	shalt  }
0x44: {  	_ =	shalt  }
0x45: {  	_ =	shalt  }
0x46: {  	_ =	shalt  }
0x47: {  	_ =	shalt  }
0x48: {  	_ =	shalt  }
0x49: {  	_ =	shalt  }
0x4a: {  	_ =	shalt  }
0x4b: {  	_ =	shalt  }
0x4c: {  	_ =	shalt  }
0x4d: {  	_ =	shalt  }
0x4e: {  	_ =	shalt  }
0x4f: {  	_ =	shalt  }
0x50: {  	_ =	shalt  }
0x51: {  	_ =	shalt  }
0x52: {  	_ =	shalt  }
0x53: {  	_ =	shalt  }
0x54: {  	_ =	shalt  }
0x55: {  	_ =	shalt  }
0x56: {  	_ =	shalt  }
0x57: {  	_ =	shalt  }
0x58: {  	_ =	shalt  }
0x59: {  	_ =	shalt  }
0x5a: {  	_ =	shalt  }
0x5b: {  	_ =	shalt  }
0x5c: {  	_ =	shalt  }
0x5d: {  	_ =	shalt  }
0x5e: {  	_ =	shalt  }
0x5f: {  	_ =	shalt  }
0x60: {  	_ =	shalt  }
0x61: {  	_ =	shalt  }
0x62: {  	_ =	shalt  }
0x63: {  	_ =	shalt  }
0x64: {  	_ =	shalt  }
0x65: {  	_ =	shalt  }
0x66: {  	_ =	shalt  }
0x67: {  	_ =	shalt  }
0x68: {  	_ =	shalt  }
0x69: {  	_ =	shalt  }
0x6a: {  	_ =	shalt  }
0x6b: {  	_ =	shalt  }
0x6c: {  	_ =	shalt  }
0x6d: {  	_ =	shalt  }
0x6e: {  	_ =	shalt  }
0x6f: {  	_ =	shalt  }
0x70: {  	_ =	shalt  }
0x71: {  	_ =	shalt  }
0x72: {  	_ =	shalt  }
0x73: {  	_ =	shalt  }
0x74: {  	_ =	shalt  }
0x75: {  	_ =	shalt  }
0x76: {  	_ =	shalt  }
0x77: {  	_ =	shalt  }
0x78: {  	_ =	shalt  }
0x79: {  	_ =	shalt  }
0x7a: {  	_ =	shalt  }
0x7b: {  	_ =	shalt  }
0x7c: {  	_ =	shalt  }
0x7d: {  	_ =	shalt  }
0x7e: {  	_ =	shalt  }
0x7f: {  	_ =	shalt  }
0x80: {  	_ =	shalt  }
0x81: {  	_ =	shalt  }
0x82: {  	_ =	shalt  }
0x83: {  	_ =	shalt  }
0x84: {  	_ =	shalt  }
0x85: {  	_ =	shalt  }
0x86: {  	_ =	shalt  }
0x87: {  	_ =	shalt  }
.Lfunc_end0:
.L_simem_size_0:
called_computation.1_lowered:
.L_overlay_start_0:
0x88: {  	s2 =	sld [smem:$0x3FD9]  }
0x89: {  	s3 =	sld [smem:$0x3FFE];
	_ =	sdelay $0x1  }
0x8a: {  	s1 =	srdreg.scid  }
0x8b: {  	s0 =	sand.u32 $0x1, s1  }
0x8c: {  	s14 =	sshll.u32 s0, $0xA;
	s2 =	sadd.s32 s3, s2  }
0x8d: {  	s2 =	sadd.s32 s2, s14  }
0x8e: {  	[smem:$0x3FC0] =	sst s2  }
0x8f: {  	_ = 	snop  }
0x90: {  	s2 =	sld [smem:$0x3FD0];
	_ =	sdelay $0x2  }
0x91: {  	s15 =	simm.s32 $0xA;
	s4 =	simm.s32 $0x10  }
0x92: {  	[smem:s4], [sflag:s15] =	dma.local [hbm:s2], $0x1  }
0x93: {  	_ =	swait.eq [sflag:s15], $0x1  }
0x94: {  	[sflag:s15] =	ssyncset.done $0x0  }
0x95: {  	s16 =	sld [smem:$0x10];
	[sflag:s15] =	ssyncadd.s32 $0xFFFFFFFF  }
0x96: {  	s17 =	sld [smem:$0x11];
	(tm) =	ssettm $0x1  }
0x97: {  	s18 =	sld [smem:$0x3FFB];
	_ =	sdelay $0x3  }
0x98: {  	_ =	strace s18  }
0x99: {  	s4 =	sld [smem:$0x3FFC];
	_ =	sdelay $0x3  }
0x9a: {  	_ =	strace s4  }
0x9b: {  	s4 =	sld [smem:$0x3FFD];
	_ =	sdelay $0x3  }
0x9c: {  	_ =	strace s4  }
0x9d: {  	_ =	strace $0x8FFFFFFF  }
0x9e: {  	s19 =	sld [smem:$0x3FDB];
	_ =	sdelay $0x1  }
0x9f: {  	s5 =	simm.s32 $_scs_section_size  }
0xa0: {  	s6 =	simm.s32 $_size__tile_overlayer_lowered;
	s7 =	simm.s32 $_tile_overlayer_lowered  }
0xa1: {  	s22 =	simm.s32 $0x1BFF;
	s21 =	sshll.u32 s7, $0x1;
	s4 =	sadd.s32 s5, s19  }
0xa2: {  	s8 =	simm.s32 $0x0;
	s20 =	sshll.u32 s6, $0x1;
	s6 =	sadd.s32 s21, s4  }
0xa3: {  	[timem:s8], [sflag:s22] =	dma.local [hbm:s6], s20  }
0xa4: {  	_ =	swait.ge [sflag:s22], s20  }
0xa5: {  	s5 =	ssub.s32 $0x0, s20;
	[sflag:s22] =	ssyncset.done $0x0  }
0xa6: {  	[sflag:s22] =	ssyncadd.s32 s5;
	_ =	sdelay $0x1  }
0xa7: {  	s23 =	simm.s32 $0x1B8B  }
0xa8: {  	_ =	swait.ge [sflag:s23], $0x1  }
0xa9: {  	[sflag:s23] =	ssyncset.done $0x0  }
0xaa: {  	s25 =	simm.s32 $0x1B8E;
	s24 =	sld [smem:$0x3FFE];
	[sflag:s23] =	ssyncadd.s32 $0xFFFFFFFF  }
0xab: {  	s26 =	simm.s32 $execute0_lowered;
	[smem:$0x3FD2] =	sst s25  }
0xac: {  	s6 =	sshll.u32 s26, $0x1;
	_ =	strace $0x80000049;
	[dreg:$0x1] =	wrdreg $0xFFFFFFFF  }
0xad: {  	s28 =	simm.s32 $_size_execute0_lowered;
	s4 =	sadd.s32 s4, s6;
	[dreg:$0x0] =	wrdreg $0x0  }
0xae: {  	s6 =	sshll.u32 s28, $0x1;
	[dreg:$0x2] =	wrdreg s4  }
0xaf: {  	[dreg:$0x3] =	wrdreg s6  }
0xb0: {  	[dreg:$0x4] =	wrdreg $0xC0  }
0xb1: {  	_ =	task [dreg:s8], $0x5FFFF  }
0xb2: {  	[dreg:$0x1] =	wrdreg $0xFFFFFFFF  }
0xb3: {  	[dreg:$0x0] =	wrdreg $0x60  }
0xb4: {  	[dreg:$0x2] =	wrdreg s24  }
0xb5: {  	[dreg:$0x3] =	wrdreg s17  }
0xb6: {  	[dreg:$0x4] =	wrdreg s16  }
0xb7: {  	[dreg:$0x5] =	wrdreg $0x82000  }
0xb8: {  	[dreg:$0x6] =	wrdreg $0x9  }
0xb9: {  	_ =	task.clear_ibuf [dreg:s8], $0x7FFFF;
	_ =	strace $0x90000049  }
0xba: {  	s29 =	simm.s32 $0x9;
	_ =	strace $0x8000004B  }
0xbb: {  	_ =	swait.ge [sflag:s29], $0x1  }
0xbc: {  	[sflag:s29] =	ssyncadd.s32 $0xFFFFFFFF  }
0xbd: {  	_ =	strace $0x9000004B  }
0xbe: {  	_ =	sfence  }
0xbf: {  	s30 =	sld [smem:$0x0];
	_ =	sdelay $0x2  }
0xc0: {  	s31 =	sshll.u32 s1, $0xD;
	s1 =	sshrl.u32 s1, $0x2  }
0xc1: {  	s3 =	sand.u32 $0x4000, s31;
	s1 =	sadd.s32 s1, s30  }
0xc2: {  	s0 =	sor.u32 s3, s0;
	s1 =	sshll.u32 s1, $0x11  }
0xc3: {  	s0 =	sor.u32 s1, s0  }
0xc4: {  	s0 =	sadd.s32 $0x8F2B, s0  }
0xc5: {  	[sflag:s0] =	ssyncadd.remote.s32 $0x1  }
0xc6: {  	_ =	sfence.sel $0xFFFF  }
0xc7: {  	[dreg:$0x0] =	wrdreg $0xFFFFFFFF;
	(pc) =	sbr.abs _section_cstart, $3  }
0xc8: {  	[dreg:$0x1] =	wrdreg $0xFFFFFFFF  }
0xc9: {  	_ =	task.clear_ibuf [dreg:s8], $0x2FFFF;
	_ =	strace $0x9FFFFFFF  }
0xca: {  	(tm) =	ssettm $0x7FFFFFFF  }
0xcb: {  	_ =	shalt  }
tec
execute0_lowered:
.L_overlay_start_1:
0x0: {  	(tag) =	ssettag $0x1  }
0x1: {  	s1 =	rddreg [dreg:$0x0]  }
0x2: {  	s6 =	rddreg [dreg:$0x1];
	s0 =	stileid.u32  }
0x3: {  	s7 =	rddreg [dreg:$0x2];
	s8 =	smul.u32 $0x2780, s0  }
0x4: {  	s3 =	srdreg.scid;
	s10 =	smul.u32 $0x13C00, s0  }
0x5: {  	s2 =	rddreg [dreg:$0x3];
	s28 =	simm.s32 $0x200;
	s12 =	smul.u32 $0x4F000, s0  }
0x6: {  	s29 =	simm.s32 $0x4200;
	s30 =	simm.s32 $0x1;
	s14 =	smul.u32 $0x1B00, s0  }
0x7: {  	s31 =	simm.s32 $0x2;
	s9 =	sand.u32 $0x1, s3;
	s22 =	smul.u32 $0x3400, s0  }
0x8: {  	s3 =	simm.s32 $0x0;
	s4 =	sadd.s32 $0x2200, s1;
	s26 =	smul.u32 $0x680, s0  }
0x9: {  	s5 =	smul.u32 $0x13C000, s9;
	[smem:$0x7FF] =	sst s3;
	s17 =	ssub.s32 $0x2, s9  }
0xa: {  	p0 =	seq.s32 s9, $0x0;
	_ =	strace $0x8000004A;
	s11 =	sadd.s32 s8, s1  }
0xb: {  	s13 =	sshrl.u32 s17, $0x1;
	s18 =	sshrl.u32 s12, $0x2;
	s20 =	sshrl.u32 s14, $0x3  }
0xc: {  	s8 =	sadd.s32 s4, s8;
	s25 =	sshrl.u32 s22, $0x3;
	s22 =	simm.s32 $0x4  }
0xd: {  	s5 =	sadd.s32 s10, s5;
	s17 =	ssub.s32 s17, s13;
	s19 =	sadd.s32 $0x29A00, s11  }
0xe: {  	s21 =	sadd.s32 $0x6800, s20;
	s10 =	sadd.s32 $0x6810, s20;
	[dreg:$0xa] =	wrdreg s8  }
0xf: {  	s12 =	sadd.s32 s6, s25;
	s15 =	sor.u32 $0x10, s25;
	s13 =	sadd.s32 s7, s25  }
0x10: {  	s20 =	sadd.s32 s26, s7;
	s25 =	simm.s32 $0x180;
	s5 =	sshrl.u32 s5, $0x3  }
0x11: {  	[dreg:$0x5] =	wrdreg s19;
	s23 =	sadd.s32 s6, s21;
	s11 =	sadd.s32 s7, s21  }
0x12: {  	s24 =	sadd.s32 s6, s10;
	s10 =	sadd.s32 s7, s10;
	s19 =	smul.u32 $0x360, s0  }
0x13: {  	s14 =	sadd.s32 s6, s15;
	s15 =	sadd.s32 s7, s15;
	[dreg:$0x6] =	wrdreg s23  }
.Ltmp0:
0x14: {  	s17 =	smax.u32 s17, $0x1;
	[dreg:$0x7] =	wrdreg s11;
	(pc) =	sbr.rel .LBB2_1-.Ltmp0, $4  }
0x15: {  	s21 =	sadd.s32 s26, s6;
	s26 =	simm.s32 $0x3;
	[dreg:$0x8] =	wrdreg s24  }
0x16: {  	s1 =	sadd.s32 s5, s1;
	s5 =	sadd.s32 s18, s2;
	[dreg:$0x9] =	wrdreg s10  }
0x17: {  	s23 =	simm.s32 $0x80;
	s24 =	simm.s32 $0x100;
	s16 =	sadd.s32 $0x51200, s1  }
0x18: {  	s18 =	sadd.s32 s19, s7;
	s19 =	sadd.s32 s19, s6;
	s1 =	simm.s32 $0x0  }
.LBB2_7:
0x19: {  	[tilespmem:s25], [sflag:$0x3] =	stream.linear.gather [hbm4b:s9+s3], $0x80, $0x38;
	[tilespmem:$0x1BE00] =	vst v63  }
.LBB2_8:
0x1a: {  	_ =	swait.ge [sflag:s30], $0x4000  }
0x1b: {  	[sflag:s30] =	ssyncset.done $0x0  }
0x1c: {  	[sflag:s30] =	ssyncadd.s32 $0xFFFFC000  }
0x1d: {  	_ =	swait.ge [sflag:s26], $0x80  }
0x1e: {  	[sflag:s26] =	ssyncset.done $0x0  }
0x1f: {  	[sflag:s26] =	ssyncadd.s32 $0xFFFFFF80  }
0x20: {  	_ =	swait.ge [sflag:s26], $0x80  }
0x21: {  	s1 =	sadd.s32 $0x1, s1;
	[sflag:s26] =	ssyncset.done $0x0  }
0x22: {  	p1 =	sne.s32 s1, s17;
	[sflag:s26] =	ssyncadd.s32 $0xFFFFFF80  }
.Ltmp1:
0x23: {  	[bflag:$0x0] =	sbarrier.arrive $0xFFFF;
	(pc) =	sbr.rel @!p1 .LBB2_9-.Ltmp1, $4  }
0x24: {  	[hbm:s16], [sflag:s7] =	dma.local [spmem:s6], $0x2780  }
0x25: {  	_ =	swait.ge [sflag:s22], $0x2780  }
0x26: {  	[sflag:s22] =	ssyncset.done $0x0  }
0x27: {  	[sflag:s22] =	ssyncadd.s32 $0xFFFFD880  }
.LBB2_1:
.Ltmp2:
0x28: {  	(pc) =	sbr.rel @!p0 .LBB2_2-.Ltmp2, $3  }
0x29: {  	_ =	sdelay $0x1  }
0x2a: {  	s7 =	sshll.u32 s0, $0x6  }
0x2b: {  	s6 =	sshrl.u32 s5, $0x3;
	s7 =	sor.u32 $0x1C04, s7  }
0x2c: {  	s8 =	rddreg [dreg:$0xa]  }
0x2d: {  	[spmem:s6], [sflag:s7] =	dma.local [hbm:s8], $0x2780  }
0x2e: {  	_ =	swait.ge [sflag:s22], $0x2780  }
0x2f: {  	[sflag:s22] =	ssyncset.done $0x0  }
0x30: {  	[sflag:s22] =	ssyncadd.s32 $0xFFFFD880  }
0x31: {  	[bflag:$0x0] =	sbarrier.arrive $0xFFFF  }
0x32: {  	[tilespmem:s3], [sflag:$0x3] =	stream.linear.gather [hbm4b:s12+s3], $0x80, $0x38;
	[tilespmem:$0x1BE00] =	vst v63  }
0x33: {  	_ = 	snop  }
0x34: {  	[tilespmem:s23], [sflag:$0x3] =	stream.linear.gather [hbm4b:s13+s3], $0x80, $0x38;
	[tilespmem:$0x1BE00] =	vst v63  }
0x35: {  	_ = 	snop  }
0x36: {  	[tilespmem:s24], [sflag:$0x3] =	stream.linear.gather [hbm4b:s14+s3], $0x80, $0x38;
	[tilespmem:$0x1BE00] =	vst v63  }
0x37: {  	_ = 	snop  }
0x38: {  	[tilespmem:s25], [sflag:$0x3] =	stream.linear.gather [hbm4b:s15+s3], $0x80, $0x38;
	[tilespmem:$0x1BE00] =	vst v63  }
0x39: {  	_ =	swait.ge [sflag:s26], $0x80  }
0x3a: {  	[sflag:s26] =	ssyncset.done $0x0  }
0x3b: {  	[sflag:s26] =	ssyncadd.s32 $0xFFFFFF80  }
0x3c: {  	_ =	swait.ge [sflag:s26], $0x80  }
0x3d: {  	[sflag:s26] =	ssyncset.done $0x0  }
0x3e: {  	[sflag:s26] =	ssyncadd.s32 $0xFFFFFF80  }
0x3f: {  	[tilespmem:s28], [sflag:$0x1] =	stream.indirect.gather [hbm4b:s4+s23], $0x80, s3, s23, $0xb8;
	[tilespmem:$0x1BE00] =	vst v63  }
0x40: {  	_ =	swait.ge [sflag:s26], $0x80  }
0x41: {  	[sflag:s26] =	ssyncset.done $0x0  }
0x42: {  	[sflag:s26] =	ssyncadd.s32 $0xFFFFFF80  }
0x43: {  	_ =	swait.ge [sflag:s26], $0x80  }
0x44: {  	[sflag:s26] =	ssyncset.done $0x0  }
0x45: {  	[sflag:s26] =	ssyncadd.s32 $0xFFFFFF80  }
0x46: {  	[tilespmem:s29], [sflag:$0x2] =	stream.indirect.gather [hbm4b:s4+s23], $0x80, s24, s23, $0xb8;
	[tilespmem:$0x1BE00] =	vst v63  }
0x47: {  	_ =	swait.ge [sflag:s30], $0x4000  }
0x48: {  	[sflag:s30] =	ssyncset.done $0x0  }
0x49: {  	[sflag:s30] =	ssyncadd.s32 $0xFFFFC000  }
0x4a: {  	[spmem:s2] =	stream.indirect.scatter.add.f32 [tilespmem:s28], [sflag:$0x4], $0x80, s23, s23, $0xb8;
	[tilespmem:$0x1BE00] =	vst v63  }
0x4b: {  	_ =	swait.ge [sflag:s22], $0x4000  }
0x4c: {  	s8 =	sadd.s32 $0xFFFFF980, s21;
	[sflag:s22] =	ssyncset.done $0x0  }
0x4d: {  	s10 =	sadd.s32 $0xFFFFF980, s20;
	s9 =	sadd.s32 $0x6A0, s8;
	[sflag:s22] =	ssyncadd.s32 $0xFFFFC000  }
0x4e: {  	[tilespmem:s3], [sflag:$0x3] =	stream.linear.gather [hbm4b:s9+s3], $0x80, $0x38;
	[tilespmem:$0x1BE00] =	vst v63  }
0x4f: {  	s11 =	sadd.s32 $0x6A0, s10  }
0x50: {  	[tilespmem:s23], [sflag:$0x3] =	stream.linear.gather [hbm4b:s11+s3], $0x80, $0x38;
	[tilespmem:$0x1BE00] =	vst v63  }
0x51: {  	_ =	swait.ge [sflag:s26], $0x80  }
0x52: {  	[sflag:s26] =	ssyncset.done $0x0  }
0x53: {  	[sflag:s26] =	ssyncadd.s32 $0xFFFFFF80  }
0x54: {  	_ =	swait.ge [sflag:s26], $0x80  }
0x55: {  	[sflag:s26] =	ssyncset.done $0x0  }
0x56: {  	[sflag:s26] =	ssyncadd.s32 $0xFFFFFF80  }
0x57: {  	[tilespmem:s28], [sflag:$0x1] =	stream.indirect.gather [hbm4b:s4+s23], $0x80, s3, s23, $0xb8;
	[tilespmem:$0x1BE00] =	vst v63  }
0x58: {  	_ =	swait.ge [sflag:s31], $0x4000  }
0x59: {  	[sflag:s31] =	ssyncset.done $0x0  }
0x5a: {  	[sflag:s31] =	ssyncadd.s32 $0xFFFFC000  }
0x5b: {  	[spmem:s2] =	stream.indirect.scatter.add.f32 [tilespmem:s29], [sflag:$0x4], $0x80, s25, s23, $0xb8;
	[tilespmem:$0x1BE00] =	vst v63  }
0x5c: {  	_ =	swait.ge [sflag:s22], $0x4000  }
0x5d: {  	[sflag:s22] =	ssyncset.done $0x0  }
0x5e: {  	s8 =	sadd.s32 $0x6B0, s8;
	[sflag:s22] =	ssyncadd.s32 $0xFFFFC000  }
0x5f: {  	[tilespmem:s24], [sflag:$0x3] =	stream.linear.gather [hbm4b:s8+s3], $0x80, $0x38;
	[tilespmem:$0x1BE00] =	vst v63  }
0x60: {  	s9 =	sadd.s32 $0x6B0, s10;
	s8 =	simm.s32 $0xFFFFF9A0  }
.LBB2_6:
0x61: {  	[tilespmem:s25], [sflag:$0x3] =	stream.linear.gather [hbm4b:s9+s3], $0x80, $0x38;
	[tilespmem:$0x1BE00] =	vst v63  }
0x62: {  	s9 =	smov.u32 s8  }
0x63: {  	p1 =	seq.s32 s8, $0xFFFFFFE0;
	s8 =	sadd.s32 $0x20, s8;
	_ =	swait.ge [sflag:s26], $0x80  }
0x64: {  	[sflag:s26] =	ssyncset.done $0x0  }
0x65: {  	[sflag:s26] =	ssyncadd.s32 $0xFFFFFF80  }
0x66: {  	_ =	swait.ge [sflag:s26], $0x80  }
0x67: {  	[sflag:s26] =	ssyncset.done $0x0  }
0x68: {  	[sflag:s26] =	ssyncadd.s32 $0xFFFFFF80  }
0x69: {  	[tilespmem:s29], [sflag:$0x2] =	stream.indirect.gather [hbm4b:s4+s23], $0x80, s24, s23, $0xb8;
	[tilespmem:$0x1BE00] =	vst v63  }
0x6a: {  	_ =	swait.ge [sflag:s30], $0x4000  }
0x6b: {  	[sflag:s30] =	ssyncset.done $0x0  }
0x6c: {  	[sflag:s30] =	ssyncadd.s32 $0xFFFFC000  }
0x6d: {  	[spmem:s2] =	stream.indirect.scatter.add.f32 [tilespmem:s28], [sflag:$0x4], $0x80, s23, s23, $0xb8;
	[tilespmem:$0x1BE00] =	vst v63  }
0x6e: {  	_ =	swait.ge [sflag:s22], $0x4000  }
0x6f: {  	s10 =	sadd.s32 s9, s21;
	[sflag:s22] =	ssyncset.done $0x0  }
0x70: {  	s9 =	sadd.s32 s9, s20;
	s11 =	sadd.s32 $0x6A0, s10;
	[sflag:s22] =	ssyncadd.s32 $0xFFFFC000  }
0x71: {  	[tilespmem:s3], [sflag:$0x3] =	stream.linear.gather [hbm4b:s11+s3], $0x80, $0x38;
	[tilespmem:$0x1BE00] =	vst v63  }
0x72: {  	s11 =	sadd.s32 $0x6A0, s9  }
0x73: {  	[tilespmem:s23], [sflag:$0x3] =	stream.linear.gather [hbm4b:s11+s3], $0x80, $0x38;
	[tilespmem:$0x1BE00] =	vst v63  }
0x74: {  	_ =	swait.ge [sflag:s26], $0x80  }
0x75: {  	[sflag:s26] =	ssyncset.done $0x0  }
0x76: {  	[sflag:s26] =	ssyncadd.s32 $0xFFFFFF80  }
0x77: {  	_ =	swait.ge [sflag:s26], $0x80  }
0x78: {  	[sflag:s26] =	ssyncset.done $0x0  }
0x79: {  	[sflag:s26] =	ssyncadd.s32 $0xFFFFFF80  }
0x7a: {  	[tilespmem:s28], [sflag:$0x1] =	stream.indirect.gather [hbm4b:s4+s23], $0x80, s3, s23, $0xb8;
	[tilespmem:$0x1BE00] =	vst v63  }
0x7b: {  	_ =	swait.ge [sflag:s31], $0x4000  }
0x7c: {  	[sflag:s31] =	ssyncset.done $0x0  }
0x7d: {  	[sflag:s31] =	ssyncadd.s32 $0xFFFFC000  }
0x7e: {  	[spmem:s2] =	stream.indirect.scatter.add.f32 [tilespmem:s29], [sflag:$0x4], $0x80, s25, s23, $0xb8;
	[tilespmem:$0x1BE00] =	vst v63  }
.Ltmp3:
0x7f: {  	_ =	swait.ge [sflag:s22], $0x4000;
	(pc) =	sbr.rel @!p1 .LBB2_6-.Ltmp3, $4  }
0x80: {  	[sflag:s22] =	ssyncset.done $0x0  }
0x81: {  	s10 =	sadd.s32 $0x6B0, s10;
	[sflag:s22] =	ssyncadd.s32 $0xFFFFC000  }
0x82: {  	[tilespmem:s24], [sflag:$0x3] =	stream.linear.gather [hbm4b:s10+s3], $0x80, $0x38;
	[tilespmem:$0x1BE00] =	vst v63  }
0x83: {  	s9 =	sadd.s32 $0x6B0, s9  }
.Ltmp4:
0x84: {  	_ = 	snop;
	(pc) =	sbr.rel .LBB2_7-.Ltmp4, $1  }
0x85: {  	_ =	sdelay $0x3  }
.LBB2_2:
0x86: {  	s8 =	rddreg [dreg:$0x5]  }
0x87: {  	[spmem:s6], [sflag:s7] =	dma.local [hbm:s8], $0x2780  }
0x88: {  	_ =	swait.ge [sflag:s22], $0x2780  }
0x89: {  	[sflag:s22] =	ssyncset.done $0x0  }
0x8a: {  	[sflag:s22] =	ssyncadd.s32 $0xFFFFD880  }
0x8b: {  	[bflag:$0x0] =	sbarrier.arrive $0xFFFF  }
0x8c: {  	s10 =	rddreg [dreg:$0x6]  }
0x8d: {  	[tilespmem:s3], [sflag:$0x3] =	stream.linear.gather [hbm4b:s10+s3], $0x80, $0x38;
	[tilespmem:$0x1BE00] =	vst v63  }
0x8e: {  	s11 =	rddreg [dreg:$0x7]  }
0x8f: {  	[tilespmem:s23], [sflag:$0x3] =	stream.linear.gather [hbm4b:s11+s3], $0x80, $0x38;
	[tilespmem:$0x1BE00] =	vst v63  }
0x90: {  	s9 =	rddreg [dreg:$0x8]  }
0x91: {  	[tilespmem:s24], [sflag:$0x3] =	stream.linear.gather [hbm4b:s9+s3], $0x80, $0x38;
	[tilespmem:$0x1BE00] =	vst v63  }
0x92: {  	s10 =	rddreg [dreg:$0x9]  }
0x93: {  	[tilespmem:s25], [sflag:$0x3] =	stream.linear.gather [hbm4b:s10+s3], $0x80, $0x38;
	[tilespmem:$0x1BE00] =	vst v63  }
0x94: {  	_ =	swait.ge [sflag:s26], $0x80  }
0x95: {  	[sflag:s26] =	ssyncset.done $0x0  }
0x96: {  	[sflag:s26] =	ssyncadd.s32 $0xFFFFFF80  }
0x97: {  	_ =	swait.ge [sflag:s26], $0x80  }
0x98: {  	[sflag:s26] =	ssyncset.done $0x0  }
0x99: {  	[sflag:s26] =	ssyncadd.s32 $0xFFFFFF80  }
0x9a: {  	[tilespmem:s28], [sflag:$0x1] =	stream.indirect.gather [hbm4b:s4+s23], $0x80, s3, s23, $0xb8;
	[tilespmem:$0x1BE00] =	vst v63  }
0x9b: {  	_ =	swait.ge [sflag:s26], $0x80  }
0x9c: {  	[sflag:s26] =	ssyncset.done $0x0  }
0x9d: {  	[sflag:s26] =	ssyncadd.s32 $0xFFFFFF80  }
0x9e: {  	_ =	swait.ge [sflag:s26], $0x80  }
0x9f: {  	[sflag:s26] =	ssyncset.done $0x0  }
0xa0: {  	[sflag:s26] =	ssyncadd.s32 $0xFFFFFF80  }
0xa1: {  	[tilespmem:s29], [sflag:$0x2] =	stream.indirect.gather [hbm4b:s4+s23], $0x80, s24, s23, $0xb8;
	[tilespmem:$0x1BE00] =	vst v63  }
0xa2: {  	_ =	swait.ge [sflag:s30], $0x4000  }
0xa3: {  	[sflag:s30] =	ssyncset.done $0x0  }
0xa4: {  	[sflag:s30] =	ssyncadd.s32 $0xFFFFC000  }
0xa5: {  	[spmem:s2] =	stream.indirect.scatter.add.f32 [tilespmem:s28], [sflag:$0x4], $0x80, s23, s23, $0xb8;
	[tilespmem:$0x1BE00] =	vst v63  }
0xa6: {  	_ =	swait.ge [sflag:s22], $0x4000  }
0xa7: {  	s8 =	sadd.s32 $0xFFFFFCA0, s19;
	[sflag:s22] =	ssyncset.done $0x0  }
0xa8: {  	s9 =	sadd.s32 $0x6B80, s8;
	s10 =	sadd.s32 $0xFFFFFCA0, s18;
	[sflag:s22] =	ssyncadd.s32 $0xFFFFC000  }
0xa9: {  	[tilespmem:s3], [sflag:$0x3] =	stream.linear.gather [hbm4b:s9+s3], $0x80, $0x38;
	[tilespmem:$0x1BE00] =	vst v63  }
0xaa: {  	s11 =	sadd.s32 $0x6B80, s10  }
0xab: {  	[tilespmem:s23], [sflag:$0x3] =	stream.linear.gather [hbm4b:s11+s3], $0x80, $0x38;
	[tilespmem:$0x1BE00] =	vst v63  }
0xac: {  	_ =	swait.ge [sflag:s26], $0x80  }
0xad: {  	[sflag:s26] =	ssyncset.done $0x0  }
0xae: {  	[sflag:s26] =	ssyncadd.s32 $0xFFFFFF80  }
0xaf: {  	_ =	swait.ge [sflag:s26], $0x80  }
0xb0: {  	[sflag:s26] =	ssyncset.done $0x0  }
0xb1: {  	[sflag:s26] =	ssyncadd.s32 $0xFFFFFF80  }
0xb2: {  	[tilespmem:s28], [sflag:$0x1] =	stream.indirect.gather [hbm4b:s4+s23], $0x80, s3, s23, $0xb8;
	[tilespmem:$0x1BE00] =	vst v63  }
0xb3: {  	_ =	swait.ge [sflag:s31], $0x4000  }
0xb4: {  	[sflag:s31] =	ssyncset.done $0x0  }
0xb5: {  	[sflag:s31] =	ssyncadd.s32 $0xFFFFC000  }
0xb6: {  	[spmem:s2] =	stream.indirect.scatter.add.f32 [tilespmem:s29], [sflag:$0x4], $0x80, s25, s23, $0xb8;
	[tilespmem:$0x1BE00] =	vst v63  }
0xb7: {  	_ =	swait.ge [sflag:s22], $0x4000  }
0xb8: {  	[sflag:s22] =	ssyncset.done $0x0  }
0xb9: {  	s8 =	sadd.s32 $0x6B90, s8;
	[sflag:s22] =	ssyncadd.s32 $0xFFFFC000  }
0xba: {  	[tilespmem:s24], [sflag:$0x3] =	stream.linear.gather [hbm4b:s8+s3], $0x80, $0x38;
	[tilespmem:$0x1BE00] =	vst v63  }
0xbb: {  	s9 =	sadd.s32 $0x6B90, s10;
	s8 =	simm.s32 $0xFFFFFCC0  }
.LBB2_3:
0xbc: {  	[tilespmem:s25], [sflag:$0x3] =	stream.linear.gather [hbm4b:s9+s3], $0x80, $0x38;
	[tilespmem:$0x1BE00] =	vst v63  }
0xbd: {  	s9 =	smov.u32 s8  }
0xbe: {  	p1 =	sne.s32 s8, $0xFFFFFFE0;
	s8 =	sadd.s32 $0x20, s8;
	_ =	swait.ge [sflag:s26], $0x80  }
0xbf: {  	[sflag:s26] =	ssyncset.done $0x0  }
0xc0: {  	[sflag:s26] =	ssyncadd.s32 $0xFFFFFF80  }
0xc1: {  	_ =	swait.ge [sflag:s26], $0x80  }
0xc2: {  	[sflag:s26] =	ssyncset.done $0x0  }
0xc3: {  	[sflag:s26] =	ssyncadd.s32 $0xFFFFFF80  }
0xc4: {  	[tilespmem:s29], [sflag:$0x2] =	stream.indirect.gather [hbm4b:s4+s23], $0x80, s24, s23, $0xb8;
	[tilespmem:$0x1BE00] =	vst v63  }
0xc5: {  	_ =	swait.ge [sflag:s30], $0x4000  }
0xc6: {  	[sflag:s30] =	ssyncset.done $0x0  }
0xc7: {  	[sflag:s30] =	ssyncadd.s32 $0xFFFFC000  }
0xc8: {  	[spmem:s2] =	stream.indirect.scatter.add.f32 [tilespmem:s28], [sflag:$0x4], $0x80, s23, s23, $0xb8;
	[tilespmem:$0x1BE00] =	vst v63  }
0xc9: {  	_ =	swait.ge [sflag:s22], $0x4000  }
0xca: {  	s10 =	sadd.s32 s9, s19;
	[sflag:s22] =	ssyncset.done $0x0  }
0xcb: {  	s9 =	sadd.s32 s9, s18;
	s11 =	sadd.s32 $0x6B80, s10;
	[sflag:s22] =	ssyncadd.s32 $0xFFFFC000  }
0xcc: {  	[tilespmem:s3], [sflag:$0x3] =	stream.linear.gather [hbm4b:s11+s3], $0x80, $0x38;
	[tilespmem:$0x1BE00] =	vst v63  }
0xcd: {  	s11 =	sadd.s32 $0x6B80, s9  }
0xce: {  	[tilespmem:s23], [sflag:$0x3] =	stream.linear.gather [hbm4b:s11+s3], $0x80, $0x38;
	[tilespmem:$0x1BE00] =	vst v63  }
0xcf: {  	_ =	swait.ge [sflag:s26], $0x80  }
0xd0: {  	[sflag:s26] =	ssyncset.done $0x0  }
0xd1: {  	[sflag:s26] =	ssyncadd.s32 $0xFFFFFF80  }
0xd2: {  	_ =	swait.ge [sflag:s26], $0x80  }
0xd3: {  	[sflag:s26] =	ssyncset.done $0x0  }
0xd4: {  	[sflag:s26] =	ssyncadd.s32 $0xFFFFFF80  }
0xd5: {  	[tilespmem:s28], [sflag:$0x1] =	stream.indirect.gather [hbm4b:s4+s23], $0x80, s3, s23, $0xb8;
	[tilespmem:$0x1BE00] =	vst v63  }
0xd6: {  	_ =	swait.ge [sflag:s31], $0x4000  }
0xd7: {  	[sflag:s31] =	ssyncset.done $0x0  }
0xd8: {  	[sflag:s31] =	ssyncadd.s32 $0xFFFFC000  }
0xd9: {  	[spmem:s2] =	stream.indirect.scatter.add.f32 [tilespmem:s29], [sflag:$0x4], $0x80, s25, s23, $0xb8;
	[tilespmem:$0x1BE00] =	vst v63  }
.Ltmp5:
0xda: {  	_ =	swait.ge [sflag:s22], $0x4000;
	(pc) =	sbr.rel @p1 .LBB2_3-.Ltmp5, $4  }
0xdb: {  	[sflag:s22] =	ssyncset.done $0x0  }
0xdc: {  	s10 =	sadd.s32 $0x6B90, s10;
	[sflag:s22] =	ssyncadd.s32 $0xFFFFC000  }
0xdd: {  	[tilespmem:s24], [sflag:$0x3] =	stream.linear.gather [hbm4b:s10+s3], $0x80, $0x38;
	[tilespmem:$0x1BE00] =	vst v63  }
0xde: {  	s9 =	sadd.s32 $0x6B90, s9  }
.Ltmp6:
0xdf: {  	(pc) =	sbr.rel .LBB2_8-.Ltmp6, $2  }
0xe0: {  	_ =	sdelay $0x2  }
0xe1: {  	[tilespmem:s25], [sflag:$0x3] =	stream.linear.gather [hbm4b:s9+s3], $0x80, $0x38;
	[tilespmem:$0x1BE00] =	vst v63  }
.LBB2_9:
0xe2: {  	_ =	sfence.sel $0x180000  }
0xe3: {  	[bflag:$0x0] =	sbarrier.arrive $0xFFFF  }
0xe4: {  	_ =	strace $0x9000004A  }
0xe5: {  	[bflag:$0x2] =	sbarrier.arrive $0xFFFF  }
0xe6: {  	p0 =	sne.s32 s0, $0x0;
	s0 =	rddreg [dreg:$0x4]  }
0xe7: {  	s0 =	sadd.s32 @!p0 $0x100000, s0  }
0xe8: {  	[sflag:s0] =	ssyncadd.tile.s32 @!p0 $0x1;
	_ =	shalt  }
.Lfunc_end2:
_tile_overlayer_lowered:
.L_overlay_start_2:
0xe9: {  	(tag) =	ssettag $0x2  }
0xea: {  	s0 =	rddreg [dreg:$0x0];
	s2 =	stileid.u32  }
0xeb: {  	s1 =	rddreg [dreg:$0x1];
	p0 =	sne.s32 s2, $0x0  }
0xec: {  	s3 =	rddreg [dreg:$0x2];
	[bflag:$0x3] =	sbarrier.arrive $0xFFFF;
	s2 =	simm.s32 @!p0 $0x1C04  }
0xed: {  	[timem:s3], [sflag:s2] =	dma.local @!p0 [hbm:s0], s1  }
0xee: {  	s0 =	simm.s32 @!p0 $0x4  }
0xef: {  	_ =	swait.ge @!p0 [sflag:s0], s1  }
0xf0: {  	s1 =	ssub.s32 @!p0 $0x0, s1;
	[sflag:s0] =	ssyncset.done @!p0 $0x0  }
0xf1: {  	[sflag:s0] =	ssyncadd.s32 @!p0 s1  }
0xf2: {  	[bflag:$0x3] =	sbarrier.arrive $0xFFFF  }
0xf3: {  	_ =	shalt  }

// kernel: kernel.14.cloned.1.call-start
scs
__scs_entry_jumppad:
0x0: {  	(pc) =	sbr.rel $0x88, $3  }
0x1: {  	(tag) =	ssettag $0x0;
	lr =	simm.s32 $0x1  }
0x2: {  	[smem:$0x3F99] =	sst lr;
	_ =	strace $0xD0000000  }
0x3: {  	_ = 	snop  }
0x4: {  	_ = 	snop  }
0x5: {  	_ = 	snop  }
0x6: {  	_ = 	snop  }
0x7: {  	_ = 	snop  }
__scs_overlays_trampoline_lowered:
0x8: {  	[smem:$0x3FA8] =	sst s0  }
0x9: {  	[smem:$0x3FA9] =	sst s1  }
0xa: {  	[smem:$0x3FAA] =	sst s2  }
0xb: {  	[smem:$0x3FAB] =	sst s3  }
0xc: {  	[smem:$0x3FAC] =	sst s4  }
0xd: {  	[smem:$0x3FAD] =	sst s5  }
0xe: {  	[smem:$0x3FAE] =	sst s6  }
0xf: {  	[smem:$0x3FAF] =	sst s7  }
0x10: {  	[smem:$0x3FB0] =	sst s8  }
0x11: {  	[smem:$0x3FB1] =	sst s9;
	s0 =	simm.s32 @!p0 $0x0  }
0x12: {  	s1 =	sld [smem:$0x3F97];
	s0 =	simm.s32 @p0 $0x1  }
0x13: {  	[smem:$0x3FB2] =	sst s0;
	s0 =	simm.s32 @!p1 $0x0  }
0x14: {  	s2 =	sld [smem:$0x3F96];
	s0 =	simm.s32 @p1 $0x1  }
0x15: {  	[smem:$0x3FB3] =	sst s0;
	s0 =	simm.s32 @!p2 $0x0  }
0x16: {  	s3 =	sld [smem:$0x3FDB];
	s0 =	simm.s32 @p2 $0x1  }
0x17: {  	s4 =	simm.s32 $0x1BF5;
	[smem:$0x3FB5] =	sst s0  }
0x18: {  	s0 =	sld [smem:$0x3F98];
	_ =	swait.ge [sflag:s4], $0x0  }
0x19: {  	s7 =	sld [smem:$0x3F99]  }
0x1a: {  	s8 =	sadd.s32 $0xFFFFE003, lr  }
0x1b: {  	s9 =	sadd.s32 $0xFFFFFEF7, lr;
	s5 =	simm.s32 $0xFFFFFFFF;
	p2 =	slt.u32 s8, $0xFFFFF086  }
0x1c: {  	p1 =	slt.u32 s9, $0xF7A;
	s5 =	simm.s32 @!p2 $0x0  }
0x1d: {  	s5 =	simm.s32 @p1 $0x1;
	p0 =	seq.s32 s7, s2  }
0x1e: {  	s7 =	smul.u32 @!p0 $0xF7A, s2;
	p2 =	seq.s32 @!p0 s5, $0x0  }
0x1f: {  	s9 =	smul.u32 $0xF7A, s1;
	s8 =	simm.s32 @!p0 $0x1BF5;
	p2 =	por !p2, p0  }
0x20: {  	[sflag:s8] =	ssyncset.s32 @!p0 $0xFFFFF086;
	s6 =	sadd.s32 @!p0 s3, s7;
	s7 =	simm.s32 @!p0 $0x108  }
0x21: {  	s3 =	sadd.s32 s3, s9;
	s6 =	sadd.s32 @!p0 $0x88, s6;
	s7 =	simm.s32 @p2 $0x1082  }
0x22: {  	[simem:s7], [sflag:s8] =	dma.local @!p0 [hbm:s6], $0xF7A  }
0x23: {  	s9 =	sor.u32 $0xD0000000, s2;
	s6 =	simm.s32 $0x108;
	_ =	swait.ge @!p0 [sflag:s8], $0x0  }
0x24: {  	s3 =	sadd.s32 $0x88, s3;
	s6 =	simm.s32 @!p1 $0x1082;
	[sflag:s4] =	ssyncset.s32 $0xFFFFF086  }
0x25: {  	[simem:s6], [sflag:s4] =	dma.local [hbm:s3], $0xF7A  }
0x26: {  	[smem:$0x3F99] =	sst s1;
	(tag) =	ssettag s2;
	_ =	strace s9  }
0x27: {  	s1 =	sld [smem:$0x3FA9]  }
0x28: {  	s2 =	sld [smem:$0x3FAA]  }
0x29: {  	s4 =	sld [smem:$0x3FAC]  }
0x2a: {  	p0 =	seq.s32 s5, $0x0;
	s5 =	sld [smem:$0x3FAD]  }
0x2b: {  	s6 =	sld [smem:$0x3FAE]  }
0x2c: {  	s7 =	sld [smem:$0x3FAF]  }
0x2d: {  	s3 =	simm.s32 $0x108;
	s8 =	sld [smem:$0x3FB0]  }
0x2e: {  	s3 =	simm.s32 @!p0 $0x1082;
	s9 =	sld [smem:$0x3FB1]  }
0x2f: {  	lr =	sadd.s32 s0, s3;
	s0 =	sld [smem:$0x3FA8]  }
0x30: {  	s3 =	sld [smem:$0x3FAB]  }
0x31: {  	[smem:$0x3FB4] =	sst s10  }
0x32: {  	s10 =	sld [smem:$0x3FB2];
	_ =	sdelay $0x3  }
0x33: {  	p0 =	seq.s32 s10, $0x1;
	s10 =	sld [smem:$0x3FB4];
	_ =	sdelay $0x3  }
0x34: {  	[smem:$0x3FB4] =	sst s10  }
0x35: {  	s10 =	sld [smem:$0x3FB3];
	_ =	sdelay $0x3  }
0x36: {  	p1 =	seq.s32 s10, $0x1;
	s10 =	sld [smem:$0x3FB4];
	_ =	sdelay $0x3  }
0x37: {  	[smem:$0x3FB4] =	sst s10  }
0x38: {  	s10 =	sld [smem:$0x3FB5]  }
0x39: {  	_ = 	snop;
	(pc) =	sbr.ind lr, $3  }
0x3a: {  	_ = 	snop  }
0x3b: {  	_ = 	snop  }
0x3c: {  	p2 =	seq.s32 s10, $0x1;
	s10 =	sld [smem:$0x3FB4]  }
0x3d: {  	_ =	shalt  }
0x3e: {  	_ =	shalt  }
0x3f: {  	_ =	shalt  }
0x40: {  	_ =	shalt  }
0x41: {  	_ =	shalt  }
0x42: {  	_ =	shalt  }
0x43: {  	_ =	shalt  }
0x44: {  	_ =	shalt  }
0x45: {  	_ =	shalt  }
0x46: {  	_ =	shalt  }
0x47: {  	_ =	shalt  }
0x48: {  	_ =	shalt  }
0x49: {  	_ =	shalt  }
0x4a: {  	_ =	shalt  }
0x4b: {  	_ =	shalt  }
0x4c: {  	_ =	shalt  }
0x4d: {  	_ =	shalt  }
0x4e: {  	_ =	shalt  }
0x4f: {  	_ =	shalt  }
0x50: {  	_ =	shalt  }
0x51: {  	_ =	shalt  }
0x52: {  	_ =	shalt  }
0x53: {  	_ =	shalt  }
0x54: {  	_ =	shalt  }
0x55: {  	_ =	shalt  }
0x56: {  	_ =	shalt  }
0x57: {  	_ =	shalt  }
0x58: {  	_ =	shalt  }
0x59: {  	_ =	shalt  }
0x5a: {  	_ =	shalt  }
0x5b: {  	_ =	shalt  }
0x5c: {  	_ =	shalt  }
0x5d: {  	_ =	shalt  }
0x5e: {  	_ =	shalt  }
0x5f: {  	_ =	shalt  }
0x60: {  	_ =	shalt  }
0x61: {  	_ =	shalt  }
0x62: {  	_ =	shalt  }
0x63: {  	_ =	shalt  }
0x64: {  	_ =	shalt  }
0x65: {  	_ =	shalt  }
0x66: {  	_ =	shalt  }
0x67: {  	_ =	shalt  }
0x68: {  	_ =	shalt  }
0x69: {  	_ =	shalt  }
0x6a: {  	_ =	shalt  }
0x6b: {  	_ =	shalt  }
0x6c: {  	_ =	shalt  }
0x6d: {  	_ =	shalt  }
0x6e: {  	_ =	shalt  }
0x6f: {  	_ =	shalt  }
0x70: {  	_ =	shalt  }
0x71: {  	_ =	shalt  }
0x72: {  	_ =	shalt  }
0x73: {  	_ =	shalt  }
0x74: {  	_ =	shalt  }
0x75: {  	_ =	shalt  }
0x76: {  	_ =	shalt  }
0x77: {  	_ =	shalt  }
0x78: {  	_ =	shalt  }
0x79: {  	_ =	shalt  }
0x7a: {  	_ =	shalt  }
0x7b: {  	_ =	shalt  }
0x7c: {  	_ =	shalt  }
0x7d: {  	_ =	shalt  }
0x7e: {  	_ =	shalt  }
0x7f: {  	_ =	shalt  }
0x80: {  	_ =	shalt  }
0x81: {  	_ =	shalt  }
0x82: {  	_ =	shalt  }
0x83: {  	_ =	shalt  }
0x84: {  	_ =	shalt  }
0x85: {  	_ =	shalt  }
0x86: {  	_ =	shalt  }
0x87: {  	_ =	shalt  }
.Lfunc_end0:
.L_simem_size_0:
called_computation.2_lowered:
.L_overlay_start_0:
0x88: {  	s2 =	sld [smem:$0x3FD9]  }
0x89: {  	s3 =	sld [smem:$0x3FFE];
	_ =	sdelay $0x1  }
0x8a: {  	s1 =	srdreg.scid  }
0x8b: {  	s0 =	sand.u32 $0x1, s1  }
0x8c: {  	s14 =	sshll.u32 s0, $0xA;
	s2 =	sadd.s32 s3, s2  }
0x8d: {  	s2 =	sadd.s32 s2, s14  }
0x8e: {  	[smem:$0x3FC0] =	sst s2  }
0x8f: {  	_ = 	snop  }
0x90: {  	s2 =	sld [smem:$0x3FD0];
	_ =	sdelay $0x2  }
0x91: {  	s15 =	simm.s32 $0xA;
	s4 =	simm.s32 $0x10  }
0x92: {  	[smem:s4], [sflag:s15] =	dma.local [hbm:s2], $0x1  }
0x93: {  	_ =	swait.eq [sflag:s15], $0x1  }
0x94: {  	[sflag:s15] =	ssyncset.done $0x0  }
0x95: {  	s16 =	sld [smem:$0x10];
	[sflag:s15] =	ssyncadd.s32 $0xFFFFFFFF  }
0x96: {  	s17 =	sld [smem:$0x11];
	(tm) =	ssettm $0x1  }
0x97: {  	s18 =	sld [smem:$0x3FFB];
	_ =	sdelay $0x3  }
0x98: {  	_ =	strace s18  }
0x99: {  	s4 =	sld [smem:$0x3FFC];
	_ =	sdelay $0x3  }
0x9a: {  	_ =	strace s4  }
0x9b: {  	s4 =	sld [smem:$0x3FFD];
	_ =	sdelay $0x3  }
0x9c: {  	_ =	strace s4  }
0x9d: {  	_ =	strace $0x8FFFFFFF  }
0x9e: {  	s19 =	sld [smem:$0x3FDB];
	_ =	sdelay $0x1  }
0x9f: {  	s5 =	simm.s32 $_scs_section_size  }
0xa0: {  	s6 =	simm.s32 $_size__tile_overlayer_lowered;
	s7 =	simm.s32 $_tile_overlayer_lowered  }
0xa1: {  	s22 =	simm.s32 $0x1BFF;
	s21 =	sshll.u32 s7, $0x1;
	s4 =	sadd.s32 s5, s19  }
0xa2: {  	s8 =	simm.s32 $0x0;
	s20 =	sshll.u32 s6, $0x1;
	s6 =	sadd.s32 s21, s4  }
0xa3: {  	[timem:s8], [sflag:s22] =	dma.local [hbm:s6], s20  }
0xa4: {  	_ =	swait.ge [sflag:s22], s20  }
0xa5: {  	s5 =	ssub.s32 $0x0, s20;
	[sflag:s22] =	ssyncset.done $0x0  }
0xa6: {  	[sflag:s22] =	ssyncadd.s32 s5;
	_ =	sdelay $0x1  }
0xa7: {  	s23 =	simm.s32 $0x1B8B  }
0xa8: {  	_ =	swait.ge [sflag:s23], $0x1  }
0xa9: {  	[sflag:s23] =	ssyncset.done $0x0  }
0xaa: {  	s25 =	simm.s32 $0x1B8E;
	s24 =	sld [smem:$0x3FFE];
	[sflag:s23] =	ssyncadd.s32 $0xFFFFFFFF  }
0xab: {  	s26 =	simm.s32 $execute0_lowered;
	[smem:$0x3FD2] =	sst s25  }
0xac: {  	s6 =	sshll.u32 s26, $0x1;
	_ =	strace $0x8000004C;
	[dreg:$0x1] =	wrdreg $0xFFFFFFFF  }
0xad: {  	s28 =	simm.s32 $_size_execute0_lowered;
	s4 =	sadd.s32 s4, s6;
	[dreg:$0x0] =	wrdreg $0x0  }
0xae: {  	s6 =	sshll.u32 s28, $0x1;
	[dreg:$0x2] =	wrdreg s4  }
0xaf: {  	[dreg:$0x3] =	wrdreg s6  }
0xb0: {  	[dreg:$0x4] =	wrdreg $0xC0  }
0xb1: {  	_ =	task [dreg:s8], $0x5FFFF  }
0xb2: {  	[dreg:$0x1] =	wrdreg $0xFFFFFFFF  }
0xb3: {  	[dreg:$0x0] =	wrdreg $0x60  }
0xb4: {  	[dreg:$0x2] =	wrdreg s24  }
0xb5: {  	[dreg:$0x3] =	wrdreg s17  }
0xb6: {  	[dreg:$0x4] =	wrdreg s16  }
0xb7: {  	[dreg:$0x5] =	wrdreg $0x82000  }
0xb8: {  	[dreg:$0x6] =	wrdreg $0x9  }
0xb9: {  	_ =	task.clear_ibuf [dreg:s8], $0x7FFFF;
	_ =	strace $0x9000004C  }
0xba: {  	s29 =	simm.s32 $0x9;
	_ =	strace $0x8000004E  }
0xbb: {  	_ =	swait.ge [sflag:s29], $0x1  }
0xbc: {  	[sflag:s29] =	ssyncadd.s32 $0xFFFFFFFF  }
0xbd: {  	_ =	strace $0x9000004E  }
0xbe: {  	_ =	sfence  }
0xbf: {  	s30 =	sld [smem:$0x0];
	_ =	sdelay $0x2  }
0xc0: {  	s31 =	sshll.u32 s1, $0xD;
	s1 =	sshrl.u32 s1, $0x2  }
0xc1: {  	s3 =	sand.u32 $0x4000, s31;
	s1 =	sadd.s32 s1, s30  }
0xc2: {  	s0 =	sor.u32 s3, s0;
	s1 =	sshll.u32 s1, $0x11  }
0xc3: {  	s0 =	sor.u32 s1, s0  }
0xc4: {  	s0 =	sadd.s32 $0x8F2B, s0  }
0xc5: {  	[sflag:s0] =	ssyncadd.remote.s32 $0x1  }
0xc6: {  	_ =	sfence.sel $0xFFFF  }
0xc7: {  	[dreg:$0x0] =	wrdreg $0xFFFFFFFF;
	(pc) =	sbr.abs _section_cstart, $3  }
0xc8: {  	[dreg:$0x1] =	wrdreg $0xFFFFFFFF  }
0xc9: {  	_ =	task.clear_ibuf [dreg:s8], $0x2FFFF;
	_ =	strace $0x9FFFFFFF  }
0xca: {  	(tm) =	ssettm $0x7FFFFFFF  }
0xcb: {  	_ =	shalt  }
tec
execute0_lowered:
.L_overlay_start_1:
0x0: {  	(tag) =	ssettag $0x1  }
0x1: {  	s1 =	rddreg [dreg:$0x0]  }
0x2: {  	s6 =	rddreg [dreg:$0x1];
	s0 =	stileid.u32  }
0x3: {  	s7 =	rddreg [dreg:$0x2];
	s8 =	smul.u32 $0x2780, s0  }
0x4: {  	s3 =	srdreg.scid;
	s10 =	smul.u32 $0x13C00, s0  }
0x5: {  	s2 =	rddreg [dreg:$0x3];
	s28 =	simm.s32 $0x200;
	s12 =	smul.u32 $0x4F000, s0  }
0x6: {  	s29 =	simm.s32 $0x4200;
	s30 =	simm.s32 $0x1;
	s14 =	smul.u32 $0x1B00, s0  }
0x7: {  	s31 =	simm.s32 $0x2;
	s9 =	sand.u32 $0x1, s3;
	s22 =	smul.u32 $0x3400, s0  }
0x8: {  	s3 =	simm.s32 $0x0;
	s4 =	sadd.s32 $0x2200, s1;
	s26 =	smul.u32 $0x680, s0  }
0x9: {  	s5 =	smul.u32 $0x13C000, s9;
	[smem:$0x7FF] =	sst s3;
	s17 =	ssub.s32 $0x2, s9  }
0xa: {  	p0 =	seq.s32 s9, $0x0;
	_ =	strace $0x8000004D;
	s11 =	sadd.s32 s8, s1  }
0xb: {  	s13 =	sshrl.u32 s17, $0x1;
	s18 =	sshrl.u32 s12, $0x2;
	s20 =	sshrl.u32 s14, $0x3  }
0xc: {  	s8 =	sadd.s32 s4, s8;
	s25 =	sshrl.u32 s22, $0x3;
	s22 =	simm.s32 $0x4  }
0xd: {  	s5 =	sadd.s32 s10, s5;
	s17 =	ssub.s32 s17, s13;
	s19 =	sadd.s32 $0x29A00, s11  }
0xe: {  	s21 =	sadd.s32 $0x6800, s20;
	s10 =	sadd.s32 $0x6810, s20;
	[dreg:$0xa] =	wrdreg s8  }
0xf: {  	s12 =	sadd.s32 s6, s25;
	s15 =	sor.u32 $0x10, s25;
	s13 =	sadd.s32 s7, s25  }
0x10: {  	s20 =	sadd.s32 s26, s7;
	s25 =	simm.s32 $0x180;
	s5 =	sshrl.u32 s5, $0x3  }
0x11: {  	[dreg:$0x5] =	wrdreg s19;
	s23 =	sadd.s32 s6, s21;
	s11 =	sadd.s32 s7, s21  }
0x12: {  	s24 =	sadd.s32 s6, s10;
	s10 =	sadd.s32 s7, s10;
	s19 =	smul.u32 $0x360, s0  }
0x13: {  	s14 =	sadd.s32 s6, s15;
	s15 =	sadd.s32 s7, s15;
	[dreg:$0x6] =	wrdreg s23  }
.Ltmp0:
0x14: {  	s17 =	smax.u32 s17, $0x1;
	[dreg:$0x7] =	wrdreg s11;
	(pc) =	sbr.rel .LBB2_1-.Ltmp0, $4  }
0x15: {  	s21 =	sadd.s32 s26, s6;
	s26 =	simm.s32 $0x3;
	[dreg:$0x8] =	wrdreg s24  }
0x16: {  	s1 =	sadd.s32 s5, s1;
	s5 =	sadd.s32 s18, s2;
	[dreg:$0x9] =	wrdreg s10  }
0x17: {  	s23 =	simm.s32 $0x80;
	s24 =	simm.s32 $0x100;
	s16 =	sadd.s32 $0x51200, s1  }
0x18: {  	s18 =	sadd.s32 s19, s7;
	s19 =	sadd.s32 s19, s6;
	s1 =	simm.s32 $0x0  }
.LBB2_7:
0x19: {  	[tilespmem:s25], [sflag:$0x3] =	stream.linear.gather [hbm4b:s9+s3], $0x80, $0x38;
	[tilespmem:$0x1BE00] =	vst v63  }
.LBB2_8:
0x1a: {  	_ =	swait.ge [sflag:s30], $0x4000  }
0x1b: {  	[sflag:s30] =	ssyncset.done $0x0  }
0x1c: {  	[sflag:s30] =	ssyncadd.s32 $0xFFFFC000  }
0x1d: {  	_ =	swait.ge [sflag:s26], $0x80  }
0x1e: {  	[sflag:s26] =	ssyncset.done $0x0  }
0x1f: {  	[sflag:s26] =	ssyncadd.s32 $0xFFFFFF80  }
0x20: {  	_ =	swait.ge [sflag:s26], $0x80  }
0x21: {  	s1 =	sadd.s32 $0x1, s1;
	[sflag:s26] =	ssyncset.done $0x0  }
0x22: {  	p1 =	sne.s32 s1, s17;
	[sflag:s26] =	ssyncadd.s32 $0xFFFFFF80  }
.Ltmp1:
0x23: {  	[bflag:$0x0] =	sbarrier.arrive $0xFFFF;
	(pc) =	sbr.rel @!p1 .LBB2_9-.Ltmp1, $4  }
0x24: {  	[hbm:s16], [sflag:s7] =	dma.local [spmem:s6], $0x2780  }
0x25: {  	_ =	swait.ge [sflag:s22], $0x2780  }
0x26: {  	[sflag:s22] =	ssyncset.done $0x0  }
0x27: {  	[sflag:s22] =	ssyncadd.s32 $0xFFFFD880  }
.LBB2_1:
.Ltmp2:
0x28: {  	(pc) =	sbr.rel @!p0 .LBB2_2-.Ltmp2, $3  }
0x29: {  	_ =	sdelay $0x1  }
0x2a: {  	s7 =	sshll.u32 s0, $0x6  }
0x2b: {  	s6 =	sshrl.u32 s5, $0x3;
	s7 =	sor.u32 $0x1C04, s7  }
0x2c: {  	s8 =	rddreg [dreg:$0xa]  }
0x2d: {  	[spmem:s6], [sflag:s7] =	dma.local [hbm:s8], $0x2780  }
0x2e: {  	_ =	swait.ge [sflag:s22], $0x2780  }
0x2f: {  	[sflag:s22] =	ssyncset.done $0x0  }
0x30: {  	[sflag:s22] =	ssyncadd.s32 $0xFFFFD880  }
0x31: {  	[bflag:$0x0] =	sbarrier.arrive $0xFFFF  }
0x32: {  	[tilespmem:s3], [sflag:$0x3] =	stream.linear.gather [hbm4b:s12+s3], $0x80, $0x38;
	[tilespmem:$0x1BE00] =	vst v63  }
0x33: {  	_ = 	snop  }
0x34: {  	[tilespmem:s23], [sflag:$0x3] =	stream.linear.gather [hbm4b:s13+s3], $0x80, $0x38;
	[tilespmem:$0x1BE00] =	vst v63  }
0x35: {  	_ = 	snop  }
0x36: {  	[tilespmem:s24], [sflag:$0x3] =	stream.linear.gather [hbm4b:s14+s3], $0x80, $0x38;
	[tilespmem:$0x1BE00] =	vst v63  }
0x37: {  	_ = 	snop  }
0x38: {  	[tilespmem:s25], [sflag:$0x3] =	stream.linear.gather [hbm4b:s15+s3], $0x80, $0x38;
	[tilespmem:$0x1BE00] =	vst v63  }
0x39: {  	_ =	swait.ge [sflag:s26], $0x80  }
0x3a: {  	[sflag:s26] =	ssyncset.done $0x0  }
0x3b: {  	[sflag:s26] =	ssyncadd.s32 $0xFFFFFF80  }
0x3c: {  	_ =	swait.ge [sflag:s26], $0x80  }
0x3d: {  	[sflag:s26] =	ssyncset.done $0x0  }
0x3e: {  	[sflag:s26] =	ssyncadd.s32 $0xFFFFFF80  }
0x3f: {  	[tilespmem:s28], [sflag:$0x1] =	stream.indirect.gather [hbm4b:s4+s23], $0x80, s3, s23, $0xb8;
	[tilespmem:$0x1BE00] =	vst v63  }
0x40: {  	_ =	swait.ge [sflag:s26], $0x80  }
0x41: {  	[sflag:s26] =	ssyncset.done $0x0  }
0x42: {  	[sflag:s26] =	ssyncadd.s32 $0xFFFFFF80  }
0x43: {  	_ =	swait.ge [sflag:s26], $0x80  }
0x44: {  	[sflag:s26] =	ssyncset.done $0x0  }
0x45: {  	[sflag:s26] =	ssyncadd.s32 $0xFFFFFF80  }
0x46: {  	[tilespmem:s29], [sflag:$0x2] =	stream.indirect.gather [hbm4b:s4+s23], $0x80, s24, s23, $0xb8;
	[tilespmem:$0x1BE00] =	vst v63  }
0x47: {  	_ =	swait.ge [sflag:s30], $0x4000  }
0x48: {  	[sflag:s30] =	ssyncset.done $0x0  }
0x49: {  	[sflag:s30] =	ssyncadd.s32 $0xFFFFC000  }
0x4a: {  	[spmem:s2] =	stream.indirect.scatter.add.f32 [tilespmem:s28], [sflag:$0x4], $0x80, s23, s23, $0xb8;
	[tilespmem:$0x1BE00] =	vst v63  }
0x4b: {  	_ =	swait.ge [sflag:s22], $0x4000  }
0x4c: {  	s8 =	sadd.s32 $0xFFFFF980, s21;
	[sflag:s22] =	ssyncset.done $0x0  }
0x4d: {  	s10 =	sadd.s32 $0xFFFFF980, s20;
	s9 =	sadd.s32 $0x6A0, s8;
	[sflag:s22] =	ssyncadd.s32 $0xFFFFC000  }
0x4e: {  	[tilespmem:s3], [sflag:$0x3] =	stream.linear.gather [hbm4b:s9+s3], $0x80, $0x38;
	[tilespmem:$0x1BE00] =	vst v63  }
0x4f: {  	s11 =	sadd.s32 $0x6A0, s10  }
0x50: {  	[tilespmem:s23], [sflag:$0x3] =	stream.linear.gather [hbm4b:s11+s3], $0x80, $0x38;
	[tilespmem:$0x1BE00] =	vst v63  }
0x51: {  	_ =	swait.ge [sflag:s26], $0x80  }
0x52: {  	[sflag:s26] =	ssyncset.done $0x0  }
0x53: {  	[sflag:s26] =	ssyncadd.s32 $0xFFFFFF80  }
0x54: {  	_ =	swait.ge [sflag:s26], $0x80  }
0x55: {  	[sflag:s26] =	ssyncset.done $0x0  }
0x56: {  	[sflag:s26] =	ssyncadd.s32 $0xFFFFFF80  }
0x57: {  	[tilespmem:s28], [sflag:$0x1] =	stream.indirect.gather [hbm4b:s4+s23], $0x80, s3, s23, $0xb8;
	[tilespmem:$0x1BE00] =	vst v63  }
0x58: {  	_ =	swait.ge [sflag:s31], $0x4000  }
0x59: {  	[sflag:s31] =	ssyncset.done $0x0  }
0x5a: {  	[sflag:s31] =	ssyncadd.s32 $0xFFFFC000  }
0x5b: {  	[spmem:s2] =	stream.indirect.scatter.add.f32 [tilespmem:s29], [sflag:$0x4], $0x80, s25, s23, $0xb8;
	[tilespmem:$0x1BE00] =	vst v63  }
0x5c: {  	_ =	swait.ge [sflag:s22], $0x4000  }
0x5d: {  	[sflag:s22] =	ssyncset.done $0x0  }
0x5e: {  	s8 =	sadd.s32 $0x6B0, s8;
	[sflag:s22] =	ssyncadd.s32 $0xFFFFC000  }
0x5f: {  	[tilespmem:s24], [sflag:$0x3] =	stream.linear.gather [hbm4b:s8+s3], $0x80, $0x38;
	[tilespmem:$0x1BE00] =	vst v63  }
0x60: {  	s9 =	sadd.s32 $0x6B0, s10;
	s8 =	simm.s32 $0xFFFFF9A0  }
.LBB2_6:
0x61: {  	[tilespmem:s25], [sflag:$0x3] =	stream.linear.gather [hbm4b:s9+s3], $0x80, $0x38;
	[tilespmem:$0x1BE00] =	vst v63  }
0x62: {  	s9 =	smov.u32 s8  }
0x63: {  	p1 =	seq.s32 s8, $0xFFFFFFE0;
	s8 =	sadd.s32 $0x20, s8;
	_ =	swait.ge [sflag:s26], $0x80  }
0x64: {  	[sflag:s26] =	ssyncset.done $0x0  }
0x65: {  	[sflag:s26] =	ssyncadd.s32 $0xFFFFFF80  }
0x66: {  	_ =	swait.ge [sflag:s26], $0x80  }
0x67: {  	[sflag:s26] =	ssyncset.done $0x0  }
0x68: {  	[sflag:s26] =	ssyncadd.s32 $0xFFFFFF80  }
0x69: {  	[tilespmem:s29], [sflag:$0x2] =	stream.indirect.gather [hbm4b:s4+s23], $0x80, s24, s23, $0xb8;
	[tilespmem:$0x1BE00] =	vst v63  }
0x6a: {  	_ =	swait.ge [sflag:s30], $0x4000  }
0x6b: {  	[sflag:s30] =	ssyncset.done $0x0  }
0x6c: {  	[sflag:s30] =	ssyncadd.s32 $0xFFFFC000  }
0x6d: {  	[spmem:s2] =	stream.indirect.scatter.add.f32 [tilespmem:s28], [sflag:$0x4], $0x80, s23, s23, $0xb8;
	[tilespmem:$0x1BE00] =	vst v63  }
0x6e: {  	_ =	swait.ge [sflag:s22], $0x4000  }
0x6f: {  	s10 =	sadd.s32 s9, s21;
	[sflag:s22] =	ssyncset.done $0x0  }
0x70: {  	s9 =	sadd.s32 s9, s20;
	s11 =	sadd.s32 $0x6A0, s10;
	[sflag:s22] =	ssyncadd.s32 $0xFFFFC000  }
0x71: {  	[tilespmem:s3], [sflag:$0x3] =	stream.linear.gather [hbm4b:s11+s3], $0x80, $0x38;
	[tilespmem:$0x1BE00] =	vst v63  }
0x72: {  	s11 =	sadd.s32 $0x6A0, s9  }
0x73: {  	[tilespmem:s23], [sflag:$0x3] =	stream.linear.gather [hbm4b:s11+s3], $0x80, $0x38;
	[tilespmem:$0x1BE00] =	vst v63  }
0x74: {  	_ =	swait.ge [sflag:s26], $0x80  }
0x75: {  	[sflag:s26] =	ssyncset.done $0x0  }
0x76: {  	[sflag:s26] =	ssyncadd.s32 $0xFFFFFF80  }
0x77: {  	_ =	swait.ge [sflag:s26], $0x80  }
0x78: {  	[sflag:s26] =	ssyncset.done $0x0  }
0x79: {  	[sflag:s26] =	ssyncadd.s32 $0xFFFFFF80  }
0x7a: {  	[tilespmem:s28], [sflag:$0x1] =	stream.indirect.gather [hbm4b:s4+s23], $0x80, s3, s23, $0xb8;
	[tilespmem:$0x1BE00] =	vst v63  }
0x7b: {  	_ =	swait.ge [sflag:s31], $0x4000  }
0x7c: {  	[sflag:s31] =	ssyncset.done $0x0  }
0x7d: {  	[sflag:s31] =	ssyncadd.s32 $0xFFFFC000  }
0x7e: {  	[spmem:s2] =	stream.indirect.scatter.add.f32 [tilespmem:s29], [sflag:$0x4], $0x80, s25, s23, $0xb8;
	[tilespmem:$0x1BE00] =	vst v63  }
.Ltmp3:
0x7f: {  	_ =	swait.ge [sflag:s22], $0x4000;
	(pc) =	sbr.rel @!p1 .LBB2_6-.Ltmp3, $4  }
0x80: {  	[sflag:s22] =	ssyncset.done $0x0  }
0x81: {  	s10 =	sadd.s32 $0x6B0, s10;
	[sflag:s22] =	ssyncadd.s32 $0xFFFFC000  }
0x82: {  	[tilespmem:s24], [sflag:$0x3] =	stream.linear.gather [hbm4b:s10+s3], $0x80, $0x38;
	[tilespmem:$0x1BE00] =	vst v63  }
0x83: {  	s9 =	sadd.s32 $0x6B0, s9  }
.Ltmp4:
0x84: {  	_ = 	snop;
	(pc) =	sbr.rel .LBB2_7-.Ltmp4, $1  }
0x85: {  	_ =	sdelay $0x3  }
.LBB2_2:
0x86: {  	s8 =	rddreg [dreg:$0x5]  }
0x87: {  	[spmem:s6], [sflag:s7] =	dma.local [hbm:s8], $0x2780  }
0x88: {  	_ =	swait.ge [sflag:s22], $0x2780  }
0x89: {  	[sflag:s22] =	ssyncset.done $0x0  }
0x8a: {  	[sflag:s22] =	ssyncadd.s32 $0xFFFFD880  }
0x8b: {  	[bflag:$0x0] =	sbarrier.arrive $0xFFFF  }
0x8c: {  	s10 =	rddreg [dreg:$0x6]  }
0x8d: {  	[tilespmem:s3], [sflag:$0x3] =	stream.linear.gather [hbm4b:s10+s3], $0x80, $0x38;
	[tilespmem:$0x1BE00] =	vst v63  }
0x8e: {  	s11 =	rddreg [dreg:$0x7]  }
0x8f: {  	[tilespmem:s23], [sflag:$0x3] =	stream.linear.gather [hbm4b:s11+s3], $0x80, $0x38;
	[tilespmem:$0x1BE00] =	vst v63  }
0x90: {  	s9 =	rddreg [dreg:$0x8]  }
0x91: {  	[tilespmem:s24], [sflag:$0x3] =	stream.linear.gather [hbm4b:s9+s3], $0x80, $0x38;
	[tilespmem:$0x1BE00] =	vst v63  }
0x92: {  	s10 =	rddreg [dreg:$0x9]  }
0x93: {  	[tilespmem:s25], [sflag:$0x3] =	stream.linear.gather [hbm4b:s10+s3], $0x80, $0x38;
	[tilespmem:$0x1BE00] =	vst v63  }
0x94: {  	_ =	swait.ge [sflag:s26], $0x80  }
0x95: {  	[sflag:s26] =	ssyncset.done $0x0  }
0x96: {  	[sflag:s26] =	ssyncadd.s32 $0xFFFFFF80  }
0x97: {  	_ =	swait.ge [sflag:s26], $0x80  }
0x98: {  	[sflag:s26] =	ssyncset.done $0x0  }
0x99: {  	[sflag:s26] =	ssyncadd.s32 $0xFFFFFF80  }
0x9a: {  	[tilespmem:s28], [sflag:$0x1] =	stream.indirect.gather [hbm4b:s4+s23], $0x80, s3, s23, $0xb8;
	[tilespmem:$0x1BE00] =	vst v63  }
0x9b: {  	_ =	swait.ge [sflag:s26], $0x80  }
0x9c: {  	[sflag:s26] =	ssyncset.done $0x0  }
0x9d: {  	[sflag:s26] =	ssyncadd.s32 $0xFFFFFF80  }
0x9e: {  	_ =	swait.ge [sflag:s26], $0x80  }
0x9f: {  	[sflag:s26] =	ssyncset.done $0x0  }
0xa0: {  	[sflag:s26] =	ssyncadd.s32 $0xFFFFFF80  }
0xa1: {  	[tilespmem:s29], [sflag:$0x2] =	stream.indirect.gather [hbm4b:s4+s23], $0x80, s24, s23, $0xb8;
	[tilespmem:$0x1BE00] =	vst v63  }
0xa2: {  	_ =	swait.ge [sflag:s30], $0x4000  }
0xa3: {  	[sflag:s30] =	ssyncset.done $0x0  }
0xa4: {  	[sflag:s30] =	ssyncadd.s32 $0xFFFFC000  }
0xa5: {  	[spmem:s2] =	stream.indirect.scatter.add.f32 [tilespmem:s28], [sflag:$0x4], $0x80, s23, s23, $0xb8;
	[tilespmem:$0x1BE00] =	vst v63  }
0xa6: {  	_ =	swait.ge [sflag:s22], $0x4000  }
0xa7: {  	s8 =	sadd.s32 $0xFFFFFCA0, s19;
	[sflag:s22] =	ssyncset.done $0x0  }
0xa8: {  	s9 =	sadd.s32 $0x6B80, s8;
	s10 =	sadd.s32 $0xFFFFFCA0, s18;
	[sflag:s22] =	ssyncadd.s32 $0xFFFFC000  }
0xa9: {  	[tilespmem:s3], [sflag:$0x3] =	stream.linear.gather [hbm4b:s9+s3], $0x80, $0x38;
	[tilespmem:$0x1BE00] =	vst v63  }
0xaa: {  	s11 =	sadd.s32 $0x6B80, s10  }
0xab: {  	[tilespmem:s23], [sflag:$0x3] =	stream.linear.gather [hbm4b:s11+s3], $0x80, $0x38;
	[tilespmem:$0x1BE00] =	vst v63  }
0xac: {  	_ =	swait.ge [sflag:s26], $0x80  }
0xad: {  	[sflag:s26] =	ssyncset.done $0x0  }
0xae: {  	[sflag:s26] =	ssyncadd.s32 $0xFFFFFF80  }
0xaf: {  	_ =	swait.ge [sflag:s26], $0x80  }
0xb0: {  	[sflag:s26] =	ssyncset.done $0x0  }
0xb1: {  	[sflag:s26] =	ssyncadd.s32 $0xFFFFFF80  }
0xb2: {  	[tilespmem:s28], [sflag:$0x1] =	stream.indirect.gather [hbm4b:s4+s23], $0x80, s3, s23, $0xb8;
	[tilespmem:$0x1BE00] =	vst v63  }
0xb3: {  	_ =	swait.ge [sflag:s31], $0x4000  }
0xb4: {  	[sflag:s31] =	ssyncset.done $0x0  }
0xb5: {  	[sflag:s31] =	ssyncadd.s32 $0xFFFFC000  }
0xb6: {  	[spmem:s2] =	stream.indirect.scatter.add.f32 [tilespmem:s29], [sflag:$0x4], $0x80, s25, s23, $0xb8;
	[tilespmem:$0x1BE00] =	vst v63  }
0xb7: {  	_ =	swait.ge [sflag:s22], $0x4000  }
0xb8: {  	[sflag:s22] =	ssyncset.done $0x0  }
0xb9: {  	s8 =	sadd.s32 $0x6B90, s8;
	[sflag:s22] =	ssyncadd.s32 $0xFFFFC000  }
0xba: {  	[tilespmem:s24], [sflag:$0x3] =	stream.linear.gather [hbm4b:s8+s3], $0x80, $0x38;
	[tilespmem:$0x1BE00] =	vst v63  }
0xbb: {  	s9 =	sadd.s32 $0x6B90, s10;
	s8 =	simm.s32 $0xFFFFFCC0  }
.LBB2_3:
0xbc: {  	[tilespmem:s25], [sflag:$0x3] =	stream.linear.gather [hbm4b:s9+s3], $0x80, $0x38;
	[tilespmem:$0x1BE00] =	vst v63  }
0xbd: {  	s9 =	smov.u32 s8  }
0xbe: {  	p1 =	sne.s32 s8, $0xFFFFFFE0;
	s8 =	sadd.s32 $0x20, s8;
	_ =	swait.ge [sflag:s26], $0x80  }
0xbf: {  	[sflag:s26] =	ssyncset.done $0x0  }
0xc0: {  	[sflag:s26] =	ssyncadd.s32 $0xFFFFFF80  }
0xc1: {  	_ =	swait.ge [sflag:s26], $0x80  }
0xc2: {  	[sflag:s26] =	ssyncset.done $0x0  }
0xc3: {  	[sflag:s26] =	ssyncadd.s32 $0xFFFFFF80  }
0xc4: {  	[tilespmem:s29], [sflag:$0x2] =	stream.indirect.gather [hbm4b:s4+s23], $0x80, s24, s23, $0xb8;
	[tilespmem:$0x1BE00] =	vst v63  }
0xc5: {  	_ =	swait.ge [sflag:s30], $0x4000  }
0xc6: {  	[sflag:s30] =	ssyncset.done $0x0  }
0xc7: {  	[sflag:s30] =	ssyncadd.s32 $0xFFFFC000  }
0xc8: {  	[spmem:s2] =	stream.indirect.scatter.add.f32 [tilespmem:s28], [sflag:$0x4], $0x80, s23, s23, $0xb8;
	[tilespmem:$0x1BE00] =	vst v63  }
0xc9: {  	_ =	swait.ge [sflag:s22], $0x4000  }
0xca: {  	s10 =	sadd.s32 s9, s19;
	[sflag:s22] =	ssyncset.done $0x0  }
0xcb: {  	s9 =	sadd.s32 s9, s18;
	s11 =	sadd.s32 $0x6B80, s10;
	[sflag:s22] =	ssyncadd.s32 $0xFFFFC000  }
0xcc: {  	[tilespmem:s3], [sflag:$0x3] =	stream.linear.gather [hbm4b:s11+s3], $0x80, $0x38;
	[tilespmem:$0x1BE00] =	vst v63  }
0xcd: {  	s11 =	sadd.s32 $0x6B80, s9  }
0xce: {  	[tilespmem:s23], [sflag:$0x3] =	stream.linear.gather [hbm4b:s11+s3], $0x80, $0x38;
	[tilespmem:$0x1BE00] =	vst v63  }
0xcf: {  	_ =	swait.ge [sflag:s26], $0x80  }
0xd0: {  	[sflag:s26] =	ssyncset.done $0x0  }
0xd1: {  	[sflag:s26] =	ssyncadd.s32 $0xFFFFFF80  }
0xd2: {  	_ =	swait.ge [sflag:s26], $0x80  }
0xd3: {  	[sflag:s26] =	ssyncset.done $0x0  }
0xd4: {  	[sflag:s26] =	ssyncadd.s32 $0xFFFFFF80  }
0xd5: {  	[tilespmem:s28], [sflag:$0x1] =	stream.indirect.gather [hbm4b:s4+s23], $0x80, s3, s23, $0xb8;
	[tilespmem:$0x1BE00] =	vst v63  }
0xd6: {  	_ =	swait.ge [sflag:s31], $0x4000  }
0xd7: {  	[sflag:s31] =	ssyncset.done $0x0  }
0xd8: {  	[sflag:s31] =	ssyncadd.s32 $0xFFFFC000  }
0xd9: {  	[spmem:s2] =	stream.indirect.scatter.add.f32 [tilespmem:s29], [sflag:$0x4], $0x80, s25, s23, $0xb8;
	[tilespmem:$0x1BE00] =	vst v63  }
.Ltmp5:
0xda: {  	_ =	swait.ge [sflag:s22], $0x4000;
	(pc) =	sbr.rel @p1 .LBB2_3-.Ltmp5, $4  }
0xdb: {  	[sflag:s22] =	ssyncset.done $0x0  }
0xdc: {  	s10 =	sadd.s32 $0x6B90, s10;
	[sflag:s22] =	ssyncadd.s32 $0xFFFFC000  }
0xdd: {  	[tilespmem:s24], [sflag:$0x3] =	stream.linear.gather [hbm4b:s10+s3], $0x80, $0x38;
	[tilespmem:$0x1BE00] =	vst v63  }
0xde: {  	s9 =	sadd.s32 $0x6B90, s9  }
.Ltmp6:
0xdf: {  	(pc) =	sbr.rel .LBB2_8-.Ltmp6, $2  }
0xe0: {  	_ =	sdelay $0x2  }
0xe1: {  	[tilespmem:s25], [sflag:$0x3] =	stream.linear.gather [hbm4b:s9+s3], $0x80, $0x38;
	[tilespmem:$0x1BE00] =	vst v63  }
.LBB2_9:
0xe2: {  	_ =	sfence.sel $0x180000  }
0xe3: {  	[bflag:$0x0] =	sbarrier.arrive $0xFFFF  }
0xe4: {  	_ =	strace $0x9000004D  }
0xe5: {  	[bflag:$0x2] =	sbarrier.arrive $0xFFFF  }
0xe6: {  	p0 =	sne.s32 s0, $0x0;
	s0 =	rddreg [dreg:$0x4]  }
0xe7: {  	s0 =	sadd.s32 @!p0 $0x100000, s0  }
0xe8: {  	[sflag:s0] =	ssyncadd.tile.s32 @!p0 $0x1;
	_ =	shalt  }
.Lfunc_end2:
_tile_overlayer_lowered:
.L_overlay_start_2:
0xe9: {  	(tag) =	ssettag $0x2  }
0xea: {  	s0 =	rddreg [dreg:$0x0];
	s2 =	stileid.u32  }
0xeb: {  	s1 =	rddreg [dreg:$0x1];
	p0 =	sne.s32 s2, $0x0  }
0xec: {  	s3 =	rddreg [dreg:$0x2];
	[bflag:$0x3] =	sbarrier.arrive $0xFFFF;
	s2 =	simm.s32 @!p0 $0x1C04  }
0xed: {  	[timem:s3], [sflag:s2] =	dma.local @!p0 [hbm:s0], s1  }
0xee: {  	s0 =	simm.s32 @!p0 $0x4  }
0xef: {  	_ =	swait.ge @!p0 [sflag:s0], s1  }
0xf0: {  	s1 =	ssub.s32 @!p0 $0x0, s1;
	[sflag:s0] =	ssyncset.done @!p0 $0x0  }
0xf1: {  	[sflag:s0] =	ssyncadd.s32 @!p0 s1  }
0xf2: {  	[bflag:$0x3] =	sbarrier.arrive $0xFFFF  }
0xf3: {  	_ =	shalt  }

// kernel: kernel.8.cloned.1.call-start
scs
__scs_entry_jumppad:
0x0: {  	(pc) =	sbr.rel $0x88, $3  }
0x1: {  	(tag) =	ssettag $0x0;
	lr =	simm.s32 $0x1  }
0x2: {  	[smem:$0x3F99] =	sst lr;
	_ =	strace $0xD0000000  }
0x3: {  	_ = 	snop  }
0x4: {  	_ = 	snop  }
0x5: {  	_ = 	snop  }
0x6: {  	_ = 	snop  }
0x7: {  	_ = 	snop  }
__scs_overlays_trampoline_lowered:
0x8: {  	[smem:$0x3FA8] =	sst s0  }
0x9: {  	[smem:$0x3FA9] =	sst s1  }
0xa: {  	[smem:$0x3FAA] =	sst s2  }
0xb: {  	[smem:$0x3FAB] =	sst s3  }
0xc: {  	[smem:$0x3FAC] =	sst s4  }
0xd: {  	[smem:$0x3FAD] =	sst s5  }
0xe: {  	[smem:$0x3FAE] =	sst s6  }
0xf: {  	[smem:$0x3FAF] =	sst s7  }
0x10: {  	[smem:$0x3FB0] =	sst s8  }
0x11: {  	[smem:$0x3FB1] =	sst s9;
	s0 =	simm.s32 @!p0 $0x0  }
0x12: {  	s1 =	sld [smem:$0x3F97];
	s0 =	simm.s32 @p0 $0x1  }
0x13: {  	[smem:$0x3FB2] =	sst s0;
	s0 =	simm.s32 @!p1 $0x0  }
0x14: {  	s2 =	sld [smem:$0x3F96];
	s0 =	simm.s32 @p1 $0x1  }
0x15: {  	[smem:$0x3FB3] =	sst s0;
	s0 =	simm.s32 @!p2 $0x0  }
0x16: {  	s3 =	sld [smem:$0x3FDB];
	s0 =	simm.s32 @p2 $0x1  }
0x17: {  	s4 =	simm.s32 $0x1BF5;
	[smem:$0x3FB5] =	sst s0  }
0x18: {  	s0 =	sld [smem:$0x3F98];
	_ =	swait.ge [sflag:s4], $0x0  }
0x19: {  	s7 =	sld [smem:$0x3F99]  }
0x1a: {  	s8 =	sadd.s32 $0xFFFFE003, lr  }
0x1b: {  	s9 =	sadd.s32 $0xFFFFFEF7, lr;
	s5 =	simm.s32 $0xFFFFFFFF;
	p2 =	slt.u32 s8, $0xFFFFF086  }
0x1c: {  	p1 =	slt.u32 s9, $0xF7A;
	s5 =	simm.s32 @!p2 $0x0  }
0x1d: {  	s5 =	simm.s32 @p1 $0x1;
	p0 =	seq.s32 s7, s2  }
0x1e: {  	s7 =	smul.u32 @!p0 $0xF7A, s2;
	p2 =	seq.s32 @!p0 s5, $0x0  }
0x1f: {  	s9 =	smul.u32 $0xF7A, s1;
	s8 =	simm.s32 @!p0 $0x1BF5;
	p2 =	por !p2, p0  }
0x20: {  	[sflag:s8] =	ssyncset.s32 @!p0 $0xFFFFF086;
	s6 =	sadd.s32 @!p0 s3, s7;
	s7 =	simm.s32 @!p0 $0x108  }
0x21: {  	s3 =	sadd.s32 s3, s9;
	s6 =	sadd.s32 @!p0 $0x88, s6;
	s7 =	simm.s32 @p2 $0x1082  }
0x22: {  	[simem:s7], [sflag:s8] =	dma.local @!p0 [hbm:s6], $0xF7A  }
0x23: {  	s9 =	sor.u32 $0xD0000000, s2;
	s6 =	simm.s32 $0x108;
	_ =	swait.ge @!p0 [sflag:s8], $0x0  }
0x24: {  	s3 =	sadd.s32 $0x88, s3;
	s6 =	simm.s32 @!p1 $0x1082;
	[sflag:s4] =	ssyncset.s32 $0xFFFFF086  }
0x25: {  	[simem:s6], [sflag:s4] =	dma.local [hbm:s3], $0xF7A  }
0x26: {  	[smem:$0x3F99] =	sst s1;
	(tag) =	ssettag s2;
	_ =	strace s9  }
0x27: {  	s1 =	sld [smem:$0x3FA9]  }
0x28: {  	s2 =	sld [smem:$0x3FAA]  }
0x29: {  	s4 =	sld [smem:$0x3FAC]  }
0x2a: {  	p0 =	seq.s32 s5, $0x0;
	s5 =	sld [smem:$0x3FAD]  }
0x2b: {  	s6 =	sld [smem:$0x3FAE]  }
0x2c: {  	s7 =	sld [smem:$0x3FAF]  }
0x2d: {  	s3 =	simm.s32 $0x108;
	s8 =	sld [smem:$0x3FB0]  }
0x2e: {  	s3 =	simm.s32 @!p0 $0x1082;
	s9 =	sld [smem:$0x3FB1]  }
0x2f: {  	lr =	sadd.s32 s0, s3;
	s0 =	sld [smem:$0x3FA8]  }
0x30: {  	s3 =	sld [smem:$0x3FAB]  }
0x31: {  	[smem:$0x3FB4] =	sst s10  }
0x32: {  	s10 =	sld [smem:$0x3FB2];
	_ =	sdelay $0x3  }
0x33: {  	p0 =	seq.s32 s10, $0x1;
	s10 =	sld [smem:$0x3FB4];
	_ =	sdelay $0x3  }
0x34: {  	[smem:$0x3FB4] =	sst s10  }
0x35: {  	s10 =	sld [smem:$0x3FB3];
	_ =	sdelay $0x3  }
0x36: {  	p1 =	seq.s32 s10, $0x1;
	s10 =	sld [smem:$0x3FB4];
	_ =	sdelay $0x3  }
0x37: {  	[smem:$0x3FB4] =	sst s10  }
0x38: {  	s10 =	sld [smem:$0x3FB5]  }
0x39: {  	_ = 	snop;
	(pc) =	sbr.ind lr, $3  }
0x3a: {  	_ = 	snop  }
0x3b: {  	_ = 	snop  }
0x3c: {  	p2 =	seq.s32 s10, $0x1;
	s10 =	sld [smem:$0x3FB4]  }
0x3d: {  	_ =	shalt  }
0x3e: {  	_ =	shalt  }
0x3f: {  	_ =	shalt  }
0x40: {  	_ =	shalt  }
0x41: {  	_ =	shalt  }
0x42: {  	_ =	shalt  }
0x43: {  	_ =	shalt  }
0x44: {  	_ =	shalt  }
0x45: {  	_ =	shalt  }
0x46: {  	_ =	shalt  }
0x47: {  	_ =	shalt  }
0x48: {  	_ =	shalt  }
0x49: {  	_ =	shalt  }
0x4a: {  	_ =	shalt  }
0x4b: {  	_ =	shalt  }
0x4c: {  	_ =	shalt  }
0x4d: {  	_ =	shalt  }
0x4e: {  	_ =	shalt  }
0x4f: {  	_ =	shalt  }
0x50: {  	_ =	shalt  }
0x51: {  	_ =	shalt  }
0x52: {  	_ =	shalt  }
0x53: {  	_ =	shalt  }
0x54: {  	_ =	shalt  }
0x55: {  	_ =	shalt  }
0x56: {  	_ =	shalt  }
0x57: {  	_ =	shalt  }
0x58: {  	_ =	shalt  }
0x59: {  	_ =	shalt  }
0x5a: {  	_ =	shalt  }
0x5b: {  	_ =	shalt  }
0x5c: {  	_ =	shalt  }
0x5d: {  	_ =	shalt  }
0x5e: {  	_ =	shalt  }
0x5f: {  	_ =	shalt  }
0x60: {  	_ =	shalt  }
0x61: {  	_ =	shalt  }
0x62: {  	_ =	shalt  }
0x63: {  	_ =	shalt  }
0x64: {  	_ =	shalt  }
0x65: {  	_ =	shalt  }
0x66: {  	_ =	shalt  }
0x67: {  	_ =	shalt  }
0x68: {  	_ =	shalt  }
0x69: {  	_ =	shalt  }
0x6a: {  	_ =	shalt  }
0x6b: {  	_ =	shalt  }
0x6c: {  	_ =	shalt  }
0x6d: {  	_ =	shalt  }
0x6e: {  	_ =	shalt  }
0x6f: {  	_ =	shalt  }
0x70: {  	_ =	shalt  }
0x71: {  	_ =	shalt  }
0x72: {  	_ =	shalt  }
0x73: {  	_ =	shalt  }
0x74: {  	_ =	shalt  }
0x75: {  	_ =	shalt  }
0x76: {  	_ =	shalt  }
0x77: {  	_ =	shalt  }
0x78: {  	_ =	shalt  }
0x79: {  	_ =	shalt  }
0x7a: {  	_ =	shalt  }
0x7b: {  	_ =	shalt  }
0x7c: {  	_ =	shalt  }
0x7d: {  	_ =	shalt  }
0x7e: {  	_ =	shalt  }
0x7f: {  	_ =	shalt  }
0x80: {  	_ =	shalt  }
0x81: {  	_ =	shalt  }
0x82: {  	_ =	shalt  }
0x83: {  	_ =	shalt  }
0x84: {  	_ =	shalt  }
0x85: {  	_ =	shalt  }
0x86: {  	_ =	shalt  }
0x87: {  	_ =	shalt  }
.Lfunc_end0:
.L_simem_size_0:
called_computation_lowered:
.L_overlay_start_0:
0x88: {  	s2 =	sld [smem:$0x3FD9]  }
0x89: {  	s3 =	sld [smem:$0x3FFE];
	_ =	sdelay $0x1  }
0x8a: {  	s1 =	srdreg.scid  }
0x8b: {  	s0 =	sand.u32 $0x1, s1  }
0x8c: {  	s14 =	sshll.u32 s0, $0xA;
	s2 =	sadd.s32 s3, s2  }
0x8d: {  	s2 =	sadd.s32 s2, s14  }
0x8e: {  	[smem:$0x3FC0] =	sst s2  }
0x8f: {  	_ = 	snop  }
0x90: {  	s2 =	sld [smem:$0x3FD0];
	_ =	sdelay $0x2  }
0x91: {  	s15 =	simm.s32 $0xA;
	s4 =	simm.s32 $0x10  }
0x92: {  	[smem:s4], [sflag:s15] =	dma.local [hbm:s2], $0x1  }
0x93: {  	_ =	swait.eq [sflag:s15], $0x1  }
0x94: {  	[sflag:s15] =	ssyncset.done $0x0  }
0x95: {  	[sflag:s15] =	ssyncadd.s32 $0xFFFFFFFF  }
0x96: {  	s16 =	sld [smem:$0x10];
	(tm) =	ssettm $0x1  }
0x97: {  	s17 =	sld [smem:$0x3FFB];
	_ =	sdelay $0x3  }
0x98: {  	_ =	strace s17  }
0x99: {  	s3 =	sld [smem:$0x3FFC];
	_ =	sdelay $0x3  }
0x9a: {  	_ =	strace s3  }
0x9b: {  	s3 =	sld [smem:$0x3FFD];
	_ =	sdelay $0x3  }
0x9c: {  	_ =	strace s3  }
0x9d: {  	_ =	strace $0x8FFFFFFF  }
0x9e: {  	s18 =	sld [smem:$0x3FDB];
	_ =	sdelay $0x1  }
0x9f: {  	s19 =	simm.s32 $_scs_section_size  }
0xa0: {  	s5 =	simm.s32 $_size__tile_overlayer_lowered;
	s6 =	simm.s32 $_tile_overlayer_lowered  }
0xa1: {  	s22 =	simm.s32 $0x1BFF;
	s21 =	sshll.u32 s6, $0x1;
	s3 =	sadd.s32 s19, s18  }
0xa2: {  	s7 =	simm.s32 $0x0;
	s20 =	sshll.u32 s5, $0x1;
	s5 =	sadd.s32 s21, s3  }
0xa3: {  	[timem:s7], [sflag:s22] =	dma.local [hbm:s5], s20  }
0xa4: {  	_ =	swait.ge [sflag:s22], s20  }
0xa5: {  	s4 =	ssub.s32 $0x0, s20;
	[sflag:s22] =	ssyncset.done $0x0  }
0xa6: {  	[sflag:s22] =	ssyncadd.s32 s4;
	_ =	sdelay $0x1  }
0xa7: {  	s23 =	simm.s32 $0x1B8B  }
0xa8: {  	_ =	swait.ge [sflag:s23], $0x1  }
0xa9: {  	[sflag:s23] =	ssyncset.done $0x0  }
0xaa: {  	s25 =	simm.s32 $0x1B8E;
	s24 =	sld [smem:$0x3FFE];
	[sflag:s23] =	ssyncadd.s32 $0xFFFFFFFF  }
0xab: {  	s26 =	simm.s32 $execute0_lowered;
	[smem:$0x3FD2] =	sst s25  }
0xac: {  	s5 =	sshll.u32 s26, $0x1;
	_ =	strace $0x80000046;
	[dreg:$0x1] =	wrdreg $0xFFFFFFFF  }
0xad: {  	s28 =	simm.s32 $_size_execute0_lowered;
	s3 =	sadd.s32 s3, s5;
	[dreg:$0x0] =	wrdreg $0x0  }
0xae: {  	s5 =	sshll.u32 s28, $0x1;
	[dreg:$0x2] =	wrdreg s3  }
0xaf: {  	[dreg:$0x3] =	wrdreg s5  }
0xb0: {  	[dreg:$0x4] =	wrdreg $0xC0  }
0xb1: {  	_ =	task [dreg:s7], $0x5FFFF  }
0xb2: {  	[dreg:$0x1] =	wrdreg $0xFFFFFFFF  }
0xb3: {  	[dreg:$0x0] =	wrdreg $0x60  }
0xb4: {  	[dreg:$0x2] =	wrdreg s16  }
0xb5: {  	[dreg:$0x3] =	wrdreg s24  }
0xb6: {  	[dreg:$0x4] =	wrdreg $0x3800  }
0xb7: {  	[dreg:$0x5] =	wrdreg $0x9  }
0xb8: {  	_ =	task.clear_ibuf [dreg:s7], $0x6FFFF;
	_ =	strace $0x90000046  }
0xb9: {  	s29 =	simm.s32 $0x9;
	_ =	strace $0x80000048  }
0xba: {  	_ =	swait.ge [sflag:s29], $0x1  }
0xbb: {  	[sflag:s29] =	ssyncadd.s32 $0xFFFFFFFF  }
0xbc: {  	_ =	strace $0x90000048  }
0xbd: {  	_ =	sfence  }
0xbe: {  	s30 =	sld [smem:$0x0];
	_ =	sdelay $0x2  }
0xbf: {  	s31 =	sshll.u32 s1, $0xD;
	s1 =	sshrl.u32 s1, $0x2  }
0xc0: {  	s3 =	sand.u32 $0x4000, s31;
	s1 =	sadd.s32 s1, s30  }
0xc1: {  	s0 =	sor.u32 s3, s0;
	s1 =	sshll.u32 s1, $0x11  }
0xc2: {  	s0 =	sor.u32 s1, s0  }
0xc3: {  	s0 =	sadd.s32 $0x8F2B, s0  }
0xc4: {  	[sflag:s0] =	ssyncadd.remote.s32 $0x1  }
0xc5: {  	_ =	sfence.sel $0xFFFF  }
0xc6: {  	[dreg:$0x0] =	wrdreg $0xFFFFFFFF;
	(pc) =	sbr.abs _section_cstart, $3  }
0xc7: {  	[dreg:$0x1] =	wrdreg $0xFFFFFFFF  }
0xc8: {  	_ =	task.clear_ibuf [dreg:s7], $0x2FFFF;
	_ =	strace $0x9FFFFFFF  }
0xc9: {  	(tm) =	ssettm $0x7FFFFFFF  }
tec
execute0_lowered:
.L_overlay_start_1:
0x0: {  	(tag) =	ssettag $0x1  }
0x1: {  	s8 =	rddreg [dreg:$0x0]  }
0x2: {  	s5 =	rddreg [dreg:$0x1];
	s1 =	srdreg.scid  }
0x3: {  	s0 =	stileid.u32;
	s2 =	rddreg [dreg:$0x2];
	s3 =	simm.s32 $0x0  }
0x4: {  	s6 =	sand.u32 $0x1, s1;
	s7 =	smul.u32 $0x278, s0;
	s1 =	rddreg [dreg:$0x3]  }
0x5: {  	[smem:$0x7FF] =	sst s3;
	s30 =	smul.u32 $0x4F0, s0  }
0x6: {  	s12 =	sadd.s32 $0x2200, s5;
	s4 =	smul.u32 $0x2780, s6;
	_ =	strace $0x80000047  }
0x7: {  	s10 =	ssub.s32 $0x2, s6;
	p0 =	seq.s32 s6, $0x0;
	s13 =	smul.u32 $0x4F00, s6  }
0x8: {  	s11 =	sshrl.u32 s10, $0x1;
	s29 =	sshrl.u32 s7, $0x3;
	s9 =	sadd.s32 s7, s4  }
0x9: {  	s4 =	sadd.s32 $0x2800, s5;
	s10 =	ssub.s32 s10, s11;
	s31 =	sadd.s32 s13, s8  }
0xa: {  	s11 =	simm.s32 $0x1;
	s13 =	simm.s32 $0x0;
	s9 =	sshrl.u32 s9, $0x3  }
0xb: {  	s12 =	smov.u32 @p0 s4;
	s9 =	sadd.s32 s9, s5;
	s5 =	sadd.s32 s7, s2  }
0xc: {  	s7 =	smax.u32 s10, $0x1;
	s8 =	sadd.s32 s12, s29;
	s10 =	simm.s32 $0x100  }
0xd: {  	s12 =	simm.s32 $0x80;
	s6 =	sadd.s32 $0x2E00, s9;
	s9 =	sadd.s32 s30, s31  }
.LBB2_1:
0xe: {  	[tilespmem:s10], [sflag:$0x1] =	stream.linear.gather [hbm4b:s8+s3], $0x278, $0x38;
	[tilespmem:$0x5F8] =	vst v63  }
0xf: {  	_ =	swait.ge [sflag:s11], $0x278  }
0x10: {  	[sflag:s11] =	ssyncset.done $0x0  }
0x11: {  	[sflag:s11] =	ssyncadd.s32 $0xFFFFFD88  }
0x12: {  	[spmem:s5] =	stream.linear.scatter [tilespmem:s10], [sflag:$0x1], $0x278, $0x38;
	[tilespmem:$0x5F8] =	vst v63  }
0x13: {  	_ =	swait.ge [sflag:s11], $0x278  }
0x14: {  	[sflag:s11] =	ssyncset.done $0x0  }
0x15: {  	[sflag:s11] =	ssyncadd.s32 $0xFFFFFD88  }
0x16: {  	[tilespmem:s12], [sflag:$0x1] =	stream.linear.gather [hbm4b:s4+s3], $0x80, $0x38;
	[tilespmem:$0x5F8] =	vst v63  }
0x17: {  	_ =	swait.ge [sflag:s11], $0x80  }
0x18: {  	[sflag:s11] =	ssyncset.done $0x0  }
0x19: {  	[sflag:s11] =	ssyncadd.s32 $0xFFFFFF80  }
0x1a: {  	s14 =	sadd.s32 $0x0, s9;
	[bflag:$0x0] =	sbarrier.arrive $0xFFFF  }
0x1b: {  	[tilespmem:s3], [sflag:$0x1] =	stream.linear.gather [hbm4b:s14+s3], $0x80, $0x38;
	[tilespmem:$0x5F8] =	vst v63  }
0x1c: {  	_ =	swait.ge [sflag:s11], $0x80  }
0x1d: {  	[sflag:s11] =	ssyncset.done $0x0  }
0x1e: {  	[sflag:s11] =	ssyncadd.s32 $0xFFFFFF80  }
0x1f: {  	[spmem:s2] =	stream.indirect.scatter.add.f32 [tilespmem:s12], [sflag:$0x1], $0x1, s3, s12, $0xb8;
	[tilespmem:$0x5F8] =	vst v63  }
0x20: {  	_ =	swait.ge [sflag:s11], $0x80  }
0x21: {  	s15 =	simm.s32 $0x20;
	s14 =	simm.s32 $0x10;
	[sflag:s11] =	ssyncset.done $0x0  }
.LBB2_2:
0x22: {  	s16 =	sadd.s32 s14, s9  }
0x23: {  	[sflag:s11] =	ssyncadd.s32 $0xFFFFFF80;
	s14 =	smov.u32 s15;
	s17 =	sadd.s32 $0x10, s15  }
0x24: {  	[tilespmem:s3], [sflag:$0x1] =	stream.linear.gather [hbm4b:s16+s3], $0x80, $0x38;
	[tilespmem:$0x5F8] =	vst v63  }
0x25: {  	p0 =	sne.s32 s15, $0x4E0;
	_ =	swait.ge [sflag:s11], $0x80  }
.Ltmp0:
0x26: {  	[sflag:s11] =	ssyncset.done $0x0;
	(pc) =	sbr.rel @p0 .LBB2_2-.Ltmp0, $4  }
0x27: {  	[sflag:s11] =	ssyncadd.s32 $0xFFFFFF80  }
0x28: {  	[spmem:s2] =	stream.indirect.scatter.add.f32 [tilespmem:s12], [sflag:$0x1], $0x1, s3, s12, $0xb8;
	[tilespmem:$0x5F8] =	vst v63  }
0x29: {  	_ =	swait.ge [sflag:s11], $0x80  }
0x2a: {  	s15 =	smov.u32 s17;
	[sflag:s11] =	ssyncset.done $0x0  }
0x2b: {  	s14 =	sadd.s32 s14, s9;
	[sflag:s11] =	ssyncadd.s32 $0xFFFFFF80  }
0x2c: {  	[tilespmem:s3], [sflag:$0x1] =	stream.linear.gather [hbm4b:s14+s3], $0x80, $0x38;
	[tilespmem:$0x5F8] =	vst v63  }
0x2d: {  	_ =	swait.ge [sflag:s11], $0x80  }
0x2e: {  	[sflag:s11] =	ssyncset.done $0x0  }
0x2f: {  	[sflag:s11] =	ssyncadd.s32 $0xFFFFFF80  }
0x30: {  	[spmem:s2] =	stream.indirect.scatter.add.f32 [tilespmem:s12], [sflag:$0x1], $0x1, s3, s12, $0xb8;
	[tilespmem:$0x5F8] =	vst v63  }
0x31: {  	_ =	swait.ge [sflag:s11], $0x80  }
0x32: {  	[sflag:s11] =	ssyncset.done $0x0  }
0x33: {  	[sflag:s11] =	ssyncadd.s32 $0xFFFFFF80  }
0x34: {  	[bflag:$0x0] =	sbarrier.arrive $0xFFFF  }
0x35: {  	[tilespmem:s10], [sflag:$0x1] =	stream.linear.gather [spmem:s5], $0x278, $0x38;
	[tilespmem:$0x5F8] =	vst v63  }
0x36: {  	s13 =	sadd.s32 $0x1, s13;
	_ =	swait.ge [sflag:s11], $0x278  }
0x37: {  	p0 =	sne.s32 s13, s7;
	[sflag:s11] =	ssyncset.done $0x0  }
.Ltmp1:
0x38: {  	[sflag:s11] =	ssyncadd.s32 $0xFFFFFD88;
	(pc) =	sbr.rel @p0 .LBB2_1-.Ltmp1, $4  }
0x39: {  	[hbm4b:s6+s3] =	stream.linear.scatter [tilespmem:s10], [sflag:$0x1], $0x278, $0x38;
	[tilespmem:$0x5F8] =	vst v63  }
0x3a: {  	_ =	swait.ge [sflag:s11], $0x278  }
0x3b: {  	[sflag:s11] =	ssyncset.done $0x0  }
0x3c: {  	[sflag:s11] =	ssyncadd.s32 $0xFFFFFD88  }
0x3d: {  	_ =	sfence.sel $0x180000  }
0x3e: {  	[bflag:$0x0] =	sbarrier.arrive $0xFFFF  }
0x3f: {  	p0 =	sne.s32 s0, $0x0;
	_ =	strace $0x90000047  }
0x40: {  	s0 =	sadd.s32 @!p0 $0x100000, s1;
	[bflag:$0x2] =	sbarrier.arrive $0xFFFF  }
0x41: {  	[sflag:s0] =	ssyncadd.tile.s32 @!p0 $0x1;
	_ =	shalt  }
.Lfunc_end2:
_tile_overlayer_lowered:
.L_overlay_start_2:
0x42: {  	(tag) =	ssettag $0x2  }
0x43: {  	s0 =	rddreg [dreg:$0x0];
	s2 =	stileid.u32  }
0x44: {  	s1 =	rddreg [dreg:$0x1];
	p0 =	sne.s32 s2, $0x0  }
0x45: {  	s3 =	rddreg [dreg:$0x2];
	[bflag:$0x3] =	sbarrier.arrive $0xFFFF;
	s2 =	simm.s32 @!p0 $0x1C01  }
0x46: {  	[timem:s3], [sflag:s2] =	dma.local @!p0 [hbm:s0], s1  }
0x47: {  	s0 =	simm.s32 @!p0 $0x1  }
0x48: {  	_ =	swait.ge @!p0 [sflag:s0], s1  }
0x49: {  	s1 =	ssub.s32 @!p0 $0x0, s1;
	[sflag:s0] =	ssyncset.done @!p0 $0x0  }
0x4a: {  	[sflag:s0] =	ssyncadd.s32 @!p0 s1  }
0x4b: {  	[bflag:$0x3] =	sbarrier.arrive $0xFFFF  }
0x4c: {  	_ =	shalt  }

</sc_bundles>
